<compile_context>
chip_gen: v7x
topology: tpu7x:2x2x1
jax: 0.10.2.dev20260603
libtpu: 0.0.44.dev20260713+nightly
codegen_flags: <defaults>
</compile_context>

<pallas_src>
import functools

import jax
import jax.numpy as jnp
from jax import lax
from jax.experimental import pallas as pl
from jax.experimental.pallas import tpu as pltpu
from jax.experimental.pallas import tpu_sc as plsc

_B = 4096
_GRID = 25
_EPER = 48
_N = _B * _GRID
_F = 128

_RB = 1600
_NBLK = _N // _RB
_RBB = 200
_KBLK = 24
_HEAD = _KBLK * _RBB
_KH = _HEAD // _RB
_CPAD = 256
_WIN = _CPAD
_HPR = (_KBLK - 1) * _RBB + _WIN

_NW = 32
_RPW = 150
_CROWS = _NW * _RPW
_CH = 174
_EB = _CH * 2 * _EPER
_PRIV = _RPW * _CPAD


@functools.partial(
    pl.kernel,
    out_type=jax.ShapeDtypeStruct((_CROWS * _CPAD,), jnp.float32),
    mesh=plsc.VectorSubcoreMesh(core_axis_name="c", subcore_axis_name="s",
                                num_cores=2, num_subcores=16),
    scratch_types=[
        pltpu.VMEM((_EB,), jnp.int32),
        pltpu.VMEM((_PRIV,), jnp.float32),
    ],
    compiler_params=pltpu.CompilerParams(needs_layout_passes=False),
)
def _sc_band_counts(edge_ref, out_ref, edge_v, priv_v):
    cid = lax.axis_index("c")
    sid = lax.axis_index("s")
    w = sid * 2 + cid
    row0 = w * _RPW
    bstart = jnp.clip(row0 - 24, 0, _B - _CH)
    pltpu.sync_copy(edge_ref.at[pl.ds(bstart * (2 * _EPER), _EB)], edge_v)

    z16 = jnp.zeros((16,), jnp.float32)

    def _zero(i, c):
        priv_v[pl.ds(i * 16, 16)] = z16
        return c

    lax.fori_loop(0, _PRIV // 16, _zero, 0)

    lane = lax.iota(jnp.int32, 16)
    ones = jnp.ones((16,), jnp.float32)

    def _batch(bi, c):
        b = bstart + bi
        base = bi * (2 * _EPER)
        for j in range(_EPER // 16):
            sv = edge_v[pl.ds(base + j * 16, 16)]
            dv = edge_v[pl.ds(base + _EPER + j * 16, 16)]
            n = dv + b
            lrow = n - row0
            valid = (lrow >= 0) & (lrow < _RPW)
            blk = lax.div(n, _RBB)
            jcol = (n - blk * _RBB) + (sv - dv) + 24
            flat = jnp.where(valid, lrow * _CPAD + jcol, 0)
            for t in range(16):
                plsc.addupdate_scatter(priv_v, [flat], ones,
                                       mask=valid & (lane == t))
        return c

    lax.fori_loop(0, _CH, _batch, 0)
    pltpu.sync_copy(priv_v, out_ref.at[pl.ds(w * _PRIV, _PRIV)])


def _pass_body(xm_ref, xh_ref, w_ref, vec_ref, h_ref, st_ref, cent_ref):
    i = pl.program_id(0)
    x = jnp.where(i < _KH, xh_ref[...], xm_ref[...]).astype(jnp.float32)
    scale = vec_ref[0, :]
    shift = vec_ref[1, :]
    arow = vec_ref[2, :]
    bias = vec_ref[3, :]
    y0 = x * scale[None, :] + shift[None, :]
    y = jnp.where(y0 >= 0.0, y0, arow[None, :] * y0)
    h = lax.dot_general(y, w_ref[...], (((1,), (1,)), ((), ())),
                        preferred_element_type=jnp.float32)
    h_ref[...] = h.astype(jnp.bfloat16)
    t = h + bias[None, :]

    @pl.when(i == 0)
    def _():
        st_ref[...] = jnp.zeros((8, _F), jnp.float32)

    st_ref[0:1, :] += jnp.sum(t, axis=0, keepdims=True)
    st_ref[1:2, :] += jnp.sum(t * t, axis=0, keepdims=True)
    cent_ref[...] = jnp.concatenate(
        [h[12 + 25 * q: 13 + 25 * q, :] for q in range(_RB // 25)], axis=0)


def _pass1_body(x3_ref, vec_ref, w_ref, h_ref, st_ref):
    i = pl.program_id(0)
    x = x3_ref[...].reshape(_RB, _F)
    bias = vec_ref[3, :]
    h = lax.dot_general(x, w_ref[...], (((1,), (1,)), ((), ())),
                        preferred_element_type=jnp.float32)
    h_ref[...] = h.astype(jnp.bfloat16)
    t = h + bias[None, :]

    @pl.when(i == 0)
    def _():
        st_ref[...] = jnp.zeros((8, _F), jnp.float32)

    st_ref[0:1, :] += jnp.sum(t, axis=0, keepdims=True)
    st_ref[1:2, :] += jnp.sum(t * t, axis=0, keepdims=True)


def _pass1(x3, w, vec):
    return pl.pallas_call(
        _pass1_body,
        grid=(_NBLK,),
        in_specs=[
            pl.BlockSpec((_RB // _GRID, _GRID, _F), lambda i: (i, 0, 0)),
            pl.BlockSpec((8, _F), lambda i: (0, 0)),
            pl.BlockSpec((_F, _F), lambda i: (0, 0)),
        ],
        out_specs=[
            pl.BlockSpec((_RB, _F), lambda i: (i, 0)),
            pl.BlockSpec((8, _F), lambda i: (0, 0)),
        ],
        out_shape=[
            jax.ShapeDtypeStruct((_N, _F), jnp.bfloat16),
            jax.ShapeDtypeStruct((8, _F), jnp.float32),
        ],
    )(x3, vec, w)


def _gat_pass(xm, xh, w, vec):
    return pl.pallas_call(
        _pass_body,
        grid=(_NBLK,),
        in_specs=[
            pl.BlockSpec((_RB, _F), lambda i: (i, 0)),
            pl.BlockSpec((_RB, _F), lambda i: (jnp.minimum(i, _KH - 1), 0)),
            pl.BlockSpec((_F, _F), lambda i: (0, 0)),
            pl.BlockSpec((8, _F), lambda i: (0, 0)),
        ],
        out_specs=[
            pl.BlockSpec((_RB, _F), lambda i: (i, 0)),
            pl.BlockSpec((8, _F), lambda i: (0, 0)),
            pl.BlockSpec((_RB // 25, _F), lambda i: (i, 0)),
        ],
        out_shape=[
            jax.ShapeDtypeStruct((_N, _F), jnp.bfloat16),
            jax.ShapeDtypeStruct((8, _F), jnp.float32),
            jax.ShapeDtypeStruct((_B, _F), jnp.float32),
        ],
    )(xm, xh, w, vec)


def _band_body(cnt_ref, hp_ref, vec_ref, agg_ref, cent_ref, adj_ref):
    k = pl.program_id(0)
    hwin = hp_ref[pl.ds(k * _RBB, _WIN), :].astype(jnp.float32)
    att_s = vec_ref[0:1, :]
    att_d = vec_ref[1:2, :]
    bias = vec_ref[2, :]
    asw = lax.dot_general(att_s, hwin, (((1,), (1,)), ((), ())),
                          preferred_element_type=jnp.float32)
    hblk = hwin[24:24 + _RBB, :]
    ad = lax.dot_general(hblk, att_d, (((1,), (1,)), ((), ())),
                         preferred_element_type=jnp.float32)
    al = asw + ad
    al = jnp.where(al >= 0.0, al, 0.2 * al)
    cnt = cnt_ref[...]
    ri = lax.broadcasted_iota(jnp.int32, (_RBB, _WIN), 0)
    ci = lax.broadcasted_iota(jnp.int32, (_RBB, _WIN), 1)
    cnt = cnt + jnp.where(ci == ri + 24, 1.0, 0.0)
    pos = cnt > 0.0
    amax = jnp.max(jnp.where(pos, al, -1e30), axis=1, keepdims=True)
    e = cnt * jnp.exp(al - amax)
    den = jnp.sum(e, axis=1, keepdims=True)
    agg = lax.dot_general(e, hwin, (((1,), (0,)), ((), ())),
                          preferred_element_type=jnp.float32)
    agg = agg * (1.0 / (den + 1e-16))
    agg_ref[...] = agg.astype(jnp.bfloat16)
    cent_ref[...] = jnp.concatenate(
        [agg[12 + 25 * q: 13 + 25 * q, :] for q in range(8)], axis=0)
    ta = agg + bias[None, :]
    th = hblk + bias[None, :]

    @pl.when(k == 0)
    def _():
        adj_ref[...] = jnp.zeros((8, _F), jnp.float32)

    adj_ref[0:1, :] += (jnp.sum(ta, axis=0, keepdims=True)
                        - jnp.sum(th, axis=0, keepdims=True))
    adj_ref[1:2, :] += (jnp.sum(ta * ta, axis=0, keepdims=True)
                        - jnp.sum(th * th, axis=0, keepdims=True))


def _band(counts, hpad, vec):
    return pl.pallas_call(
        _band_body,
        grid=(_KBLK,),
        in_specs=[
            pl.BlockSpec((_RBB, _CPAD), lambda k: (k, 0)),
            pl.BlockSpec((_HPR, _F), lambda k: (0, 0)),
            pl.BlockSpec((8, _F), lambda k: (0, 0)),
        ],
        out_specs=[
            pl.BlockSpec((_RBB, _F), lambda k: (k, 0)),
            pl.BlockSpec((8, _F), lambda k: (k, 0)),
            pl.BlockSpec((8, _F), lambda k: (0, 0)),
        ],
        out_shape=[
            jax.ShapeDtypeStruct((_HEAD, _F), jnp.bfloat16),
            jax.ShapeDtypeStruct((_KBLK * 8, _F), jnp.float32),
            jax.ShapeDtypeStruct((8, _F), jnp.float32),
        ],
    )(counts, hpad, vec)


def _d0_body(ex_ref, xx_ref, we_ref, wx_ref, vb_ref, pe_ref, px_ref, st_ref):
    pe = lax.dot_general(ex_ref[...], we_ref[...], (((1,), (1,)), ((), ())),
                         preferred_element_type=jnp.float32)
    pe = pe + vb_ref[0:1, :64]
    px = lax.dot_general(xx_ref[...], wx_ref[...], (((1,), (1,)), ((), ())),
                         preferred_element_type=jnp.float32)
    px = px + vb_ref[1:2, :32]
    pe_ref[...] = pe
    px_ref[...] = px
    z64 = jnp.zeros((1, 64), jnp.float32)
    z96 = jnp.zeros((1, 96), jnp.float32)
    st_ref[...] = jnp.concatenate([
        jnp.concatenate([jnp.sum(pe, 0, keepdims=True), z64], axis=1),
        jnp.concatenate([jnp.sum(pe * pe, 0, keepdims=True), z64], axis=1),
        jnp.concatenate([jnp.sum(px, 0, keepdims=True), z96], axis=1),
        jnp.concatenate([jnp.sum(px * px, 0, keepdims=True), z96], axis=1),
        jnp.zeros((4, _F), jnp.float32),
    ], axis=0)


def _d0(edge_x, external_x, we, wx, vb):
    return pl.pallas_call(
        _d0_body,
        grid=(1,),
        in_specs=[
            pl.BlockSpec((_B, 32), lambda i: (0, 0)),
            pl.BlockSpec((_B, 16), lambda i: (0, 0)),
            pl.BlockSpec((64, 32), lambda i: (0, 0)),
            pl.BlockSpec((32, 16), lambda i: (0, 0)),
            pl.BlockSpec((8, _F), lambda i: (0, 0)),
        ],
        out_specs=[
            pl.BlockSpec((_B, 64), lambda i: (0, 0)),
            pl.BlockSpec((_B, 32), lambda i: (0, 0)),
            pl.BlockSpec((8, _F), lambda i: (0, 0)),
        ],
        out_shape=[
            jax.ShapeDtypeStruct((_B, 64), jnp.float32),
            jax.ShapeDtypeStruct((_B, 32), jnp.float32),
            jax.ShapeDtypeStruct((8, _F), jnp.float32),
        ],
    )(edge_x, external_x, we, wx, vb)


_DB = 256
_TPAD = 384
_HID = 256


def _d1_body(om_ref, oh_ref, dm_ref, dh_ref, pe_ref, px_ref, sv_ref, bv_ref,
             w_ref, h_ref, st_ref):
    i = pl.program_id(0)
    ri = lax.broadcasted_iota(jnp.int32, (_DB, 1), 0) + i * _DB
    use_h = ri < 176
    o_raw = jnp.where(use_h, oh_ref[...], om_ref[...])
    d_raw = jnp.where(use_h, dh_ref[...], dm_ref[...])
    tot = jnp.concatenate(
        [o_raw, d_raw, pe_ref[...], px_ref[...],
         jnp.zeros((_DB, 32), jnp.float32)], axis=1)
    scale = sv_ref[0, :]
    shift = sv_ref[1, :]
    arow = sv_ref[2, :]
    y0 = tot * scale[None, :] + shift[None, :]
    y = jnp.where(y0 >= 0.0, y0, arow[None, :] * y0)
    h = lax.dot_general(y, w_ref[...], (((1,), (1,)), ((), ())),
                        preferred_element_type=jnp.float32)
    h = h + bv_ref[0:1, :]
    h_ref[...] = h

    @pl.when(i == 0)
    def _():
        st_ref[...] = jnp.zeros((8, _HID), jnp.float32)

    st_ref[0:1, :] += jnp.sum(h, axis=0, keepdims=True)
    st_ref[1:2, :] += jnp.sum(h * h, axis=0, keepdims=True)


def _d1(om, oh, dm, dh, pe, px, sv, bv, w):
    return pl.pallas_call(
        _d1_body,
        grid=(_B // _DB,),
        in_specs=[
            pl.BlockSpec((_DB, _F), lambda i: (i, 0)),
            pl.BlockSpec((_DB, _F), lambda i: (0, 0)),
            pl.BlockSpec((_DB, _F), lambda i: (i, 0)),
            pl.BlockSpec((_DB, _F), lambda i: (0, 0)),
            pl.BlockSpec((_DB, 64), lambda i: (i, 0)),
            pl.BlockSpec((_DB, 32), lambda i: (i, 0)),
            pl.BlockSpec((8, _TPAD), lambda i: (0, 0)),
            pl.BlockSpec((8, _HID), lambda i: (0, 0)),
            pl.BlockSpec((_HID, _TPAD), lambda i: (0, 0)),
        ],
        out_specs=[
            pl.BlockSpec((_DB, _HID), lambda i: (i, 0)),
            pl.BlockSpec((8, _HID), lambda i: (0, 0)),
        ],
        out_shape=[
            jax.ShapeDtypeStruct((_B, _HID), jnp.float32),
            jax.ShapeDtypeStruct((8, _HID), jnp.float32),
        ],
    )(om, oh, dm, dh, pe, px, sv, bv, w)


def _d2_body(h_ref, v_ref, wo_ref, o_ref):
    scale = v_ref[0, :]
    shift = v_ref[1, :]
    arow = v_ref[2, :]
    y0 = h_ref[...] * scale[None, :] + shift[None, :]
    y = jnp.where(y0 >= 0.0, y0, arow[None, :] * y0)
    o_ref[...] = lax.dot_general(y, wo_ref[...], (((1,), (1,)), ((), ())),
                                 preferred_element_type=jnp.float32) + v_ref[3, 0]


def _d2(h, v, wo):
    return pl.pallas_call(
        _d2_body,
        grid=(8,),
        in_specs=[
            pl.BlockSpec((512, _HID), lambda i: (i, 0)),
            pl.BlockSpec((8, _HID), lambda i: (0, 0)),
            pl.BlockSpec((8, _HID), lambda i: (0, 0)),
        ],
        out_specs=pl.BlockSpec((512, 8), lambda i: (i, 0)),
        out_shape=jax.ShapeDtypeStruct((_B, 8), jnp.float32),
    )(h, v, wo)


def _vec8(*rows):
    n = rows[0].shape[0]
    out = [r[None, :] for r in rows]
    out.append(jnp.zeros((8 - len(rows), n), jnp.float32))
    return jnp.concatenate(out, axis=0)


def _affine(st, g, bb, bias, n):
    c = g.shape[0]
    m = st[0, :c] / n
    v = st[1, :c] / n - m * m
    scale = g * lax.rsqrt(v + 1e-5)
    shift = (bias - m) * scale + bb
    return scale, shift


def _grid_chain(x3, counts, p1, p2):
    one = jnp.ones((_F,), jnp.float32)
    zero = jnp.zeros((_F,), jnp.float32)
    h1, st1 = _pass1(x3, p1['W'], _vec8(one, zero, one, p1['bias']))
    hp1 = jnp.concatenate(
        [jnp.zeros((24, _F), jnp.bfloat16), h1[:_HPR - 24]], axis=0)
    agg1, _, adj1 = _band(counts, hp1,
                          _vec8(p1['att_src'], p1['att_dst'], p1['bias']))
    sc1, sh1 = _affine(st1 + adj1, p1['bn_g'], p1['bn_b'], p1['bias'], _N)
    a1 = jnp.full((_F,), p1['a'], jnp.float32)
    h2, st2, centm = _gat_pass(h1, agg1, p2['W'],
                               _vec8(sc1, sh1, a1, p2['bias']))
    hp2 = jnp.concatenate(
        [jnp.zeros((24, _F), jnp.bfloat16), h2[:_HPR - 24]], axis=0)
    _, centh, adj2 = _band(counts, hp2,
                           _vec8(p2['att_src'], p2['att_dst'], p2['bias']))
    sc2, sh2 = _affine(st2 + adj2, p2['bn_g'], p2['bn_b'], p2['bias'], _N)
    centh = jnp.concatenate(
        [centh, jnp.zeros((_DB - _KBLK * 8, _F), jnp.float32)], axis=0)
    return centm, centh, sc2, sh2


def kernel(o_grid_x, d_grid_x, edge_index, edge_x, external_x, params):
    counts = _sc_band_counts(edge_index.reshape(-1)).reshape(_CROWS, _CPAD)
    p1, p2 = params['gat']

    om, oh, sco, sho = _grid_chain(o_grid_x, counts, p1, p2)
    dm, dh, scd, shd = _grid_chain(d_grid_x, counts, p1, p2)

    pe_p = params['edge']
    px_p = params['ext']
    vb = _vec8(jnp.concatenate([pe_p['b'], jnp.zeros((64,), jnp.float32)]),
               jnp.concatenate([px_p['b'], jnp.zeros((96,), jnp.float32)]))
    pe, px, st0 = _d0(edge_x, external_x, pe_p['W'], px_p['W'], vb)
    sce, she = _affine(st0[0:2], pe_p['bn_g'], pe_p['bn_b'],
                       jnp.zeros((64,), jnp.float32), _B)
    scx, shx = _affine(st0[2:4], px_p['bn_g'], px_p['bn_b'],
                       jnp.zeros((32,), jnp.float32), _B)

    a2 = jnp.full((_F,), p2['a'], jnp.float32)
    z32 = jnp.zeros((32,), jnp.float32)
    scale_t = jnp.concatenate([sco, scd, sce, scx, z32])
    shift_t = jnp.concatenate([sho, shd, she, shx, z32])
    a_t = jnp.concatenate([a2, a2,
                           jnp.full((64,), pe_p['a'], jnp.float32),
                           jnp.full((32,), px_p['a'], jnp.float32),
                           jnp.ones((32,), jnp.float32)])
    p_t = params['tot1']
    w1p = jnp.concatenate(
        [p_t['W'], jnp.zeros((_HID, _TPAD - 352), jnp.float32)], axis=1)
    h, sth = _d1(om, oh, dm, dh, pe, px,
                 _vec8(scale_t, shift_t, a_t), _vec8(p_t['b']), w1p)
    sch, shh = _affine(sth, p_t['bn_g'], p_t['bn_b'],
                       jnp.zeros((_HID,), jnp.float32), _B)

    p_o = params['out']
    a_h = jnp.full((_HID,), p_t['a'], jnp.float32)
    bo_row = jnp.full((_HID,), p_o['b'][0], jnp.float32)
    wo = jnp.concatenate([p_o['W'], jnp.zeros((7, _HID), jnp.float32)], axis=0)
    out = _d2(h, _vec8(sch, shh, a_h, bo_row), wo)
    return out[:, 0]

# --- scband reference (transcript-rebuilt; emitter-appended) ---
"""Pipeline reference for scband-gat-gegn-27762668601923 (READ-ONLY COPY).

The authoritative reference and input builder live on the scoring server;
editing this copy changes nothing except your own understanding.
"""

import jax, jax.numpy as jnp
import numpy as np

B = 4096
GRID = 25
EPER = (GRID - 1) * 2
N = B * GRID
GDIM = 128
EDIM = 32
XDIM = 16
GC = [128, 128]
ECH = 64
XCH = 32
HID = 256


def _init(key, shape, scale=0.05):
    return scale * jax.random.normal(key, shape, dtype=jnp.float32)


def setup_inputs(seed: int = 0):
    key = jax.random.key(seed)
    ks = jax.random.split(key, 32)
    o_grid_x = jax.random.normal(ks[0], (B, GRID, GDIM), dtype=jnp.float32)
    d_grid_x = jax.random.normal(ks[1], (B, GRID, GDIM), dtype=jnp.float32)
    edge_index = jax.random.randint(ks[2], (B, 2, EPER), 0, GRID, dtype=jnp.int32)
    edge_x = jax.random.normal(ks[3], (B, EDIM), dtype=jnp.float32)
    external_x = jax.random.normal(ks[4], (B, XDIM), dtype=jnp.float32)
    gat = []
    in_c = GDIM
    i = 5
    for out_c in GC:
        gat.append({
            'W': _init(ks[i], (out_c, in_c)),
            'att_src': _init(ks[i + 1], (out_c,)),
            'att_dst': _init(ks[i + 2], (out_c,)),
            'bias': jnp.zeros((out_c,), jnp.float32),
            'bn_g': jnp.ones((out_c,), jnp.float32),
            'bn_b': jnp.zeros((out_c,), jnp.float32),
            'a': jnp.float32(0.25),
        })
        in_c = out_c
        i += 3
    params = {'gat': gat}
    params['edge'] = {'W': _init(ks[i], (ECH, EDIM)), 'b': jnp.zeros((ECH,), jnp.float32), 'bn_g': jnp.ones((ECH,), jnp.float32), 'bn_b': jnp.zeros((ECH,), jnp.float32), 'a': jnp.float32(0.25)}
    params['ext'] = {'W': _init(ks[i + 1], (XCH, XDIM)), 'b': jnp.zeros((XCH,), jnp.float32), 'bn_g': jnp.ones((XCH,), jnp.float32), 'bn_b': jnp.zeros((XCH,), jnp.float32), 'a': jnp.float32(0.25)}
    tot_in = GC[-1] * 2 + ECH + XCH
    params['tot1'] = {'W': _init(ks[i + 2], (HID, tot_in)), 'b': jnp.zeros((HID,), jnp.float32), 'bn_g': jnp.ones((HID,), jnp.float32), 'bn_b': jnp.zeros((HID,), jnp.float32), 'a': jnp.float32(0.25)}
    params['out'] = {'W': _init(ks[i + 3], (1, HID)), 'b': jnp.zeros((1,), jnp.float32)}
    return {'o_grid_x': o_grid_x, 'd_grid_x': d_grid_x, 'edge_index': edge_index, 'edge_x': edge_x, 'external_x': external_x, 'params': params}


def _bn(x, g, b):
    m = jnp.mean(x, axis=0)
    v = jnp.var(x, axis=0)
    return g * (x - m) / jnp.sqrt(v + 1e-5) + b


def _prelu(x, a):
    return jnp.where(x >= 0.0, x, a * x)


def _gat(x, src, dst, p):
    h = x @ p['W'].T
    a_s = jnp.sum(h * p['att_src'], axis=-1)
    a_d = jnp.sum(h * p['att_dst'], axis=-1)
    al = a_s[src] + a_d[dst]
    al = jnp.where(al >= 0.0, al, 0.2 * al)
    amax = jax.ops.segment_max(al, dst, num_segments=N)
    amax = jnp.where(jnp.isfinite(amax), amax, 0.0)
    e = jnp.exp(al - amax[dst])
    den = jax.ops.segment_sum(e, dst, num_segments=N)
    coef = e / (den[dst] + 1e-16)
    return jax.ops.segment_sum(h[src] * coef[:, None], dst, num_segments=N) + p['bias']


def _forward(o_grid_x, d_grid_x, edge_x, external_x, params, edge_index):
    ei = jnp.transpose(edge_index, (1, 0, 2)).reshape(2, B * EPER)
    add = jnp.repeat(jnp.arange(B, dtype=ei.dtype), EPER)
    ei = ei + add[None, :]
    loop = jnp.arange(N, dtype=ei.dtype)
    src = jnp.concatenate([ei[0], loop])
    dst = jnp.concatenate([ei[1], loop])

    def grid_layer(x):
        for p in params['gat']:
            x = _prelu(_bn(_gat(x, src, dst, p), p['bn_g'], p['bn_b']), p['a'])
        return x

    o = grid_layer(o_grid_x.reshape(N, GDIM))
    d = grid_layer(d_grid_x.reshape(N, GDIM))
    o = o.reshape(B, GRID, -1)[:, GRID // 2]
    d = d.reshape(B, GRID, -1)[:, GRID // 2]
    pe = params['edge']
    eo = _prelu(_bn(edge_x @ pe['W'].T + pe['b'], pe['bn_g'], pe['bn_b']), pe['a'])
    px = params['ext']
    xo = _prelu(_bn(external_x @ px['W'].T + px['b'], px['bn_g'], px['bn_b']), px['a'])
    tot = jnp.concatenate([o, d, eo, xo], axis=1)
    p1 = params['tot1']
    h = _prelu(_bn(tot @ p1['W'].T + p1['b'], p1['bn_g'], p1['bn_b']), p1['a'])
    po = params['out']
    return (h @ po['W'].T + po['b']).squeeze(-1)


def reference(o_grid_x, d_grid_x, edge_index, edge_x, external_x, params):
    return _forward(o_grid_x, d_grid_x, edge_x, external_x, params, edge_index)

if __name__ == "__main__":
    import jax
    _d = setup_inputs()
    print(jax.jit(kernel)(*tuple(_d.values())))

</pallas_src>

<mosaic_0001>
#map = affine_map<(d0, d1) -> (0)>
module attributes {stable_mosaic.version = 14 : i64} {
  func.func @_sc_band_counts(%arg0: i32, %arg1: i32, %arg2: memref<393216xi32, #tpu.memory_space<hbm>>, %arg3: memref<1228800xf32, #tpu.memory_space<hbm>>, %arg4: memref<16704xi32, #tpu.memory_space<vmem>>, %arg5: memref<38400xf32, #tpu.memory_space<vmem>>) attributes {dimension_semantics = [#tpu.dimension_semantics<core_parallel>, #tpu.dimension_semantics<subcore_parallel>], iteration_bounds = array<i64: 2, 16>, scalar_prefetch = 0 : i64, scratch_operands = 2 : i64, tpu.core_type = #tpu.core_type<sc_vector_subcore>, window_params = [{transform_indices = #map}, {transform_indices = #map}]} {
    %mul3A = arith.constant 2 : i32
    %mul3A_0 = arith.muli %arg1, %mul3A : i32
    %add3A = arith.addi %mul3A_0, %arg0 : i32
    %mul3A_1 = arith.constant 150 : i32
    %mul3A_2 = arith.muli %add3A, %mul3A_1 : i32
    %sub3A = arith.constant 24 : i32
    %sub3A_3 = arith.subi %mul3A_2, %sub3A : i32
    %jit3A = arith.constant 0 : i32
    %jit3A_4 = arith.constant 3922 : i32
    %max3A = arith.maxsi %jit3A, %sub3A_3 : i32
    %min3A = arith.minsi %jit3A_4, %max3A : i32
    %mul3A_5 = arith.constant 96 : i32
    %mul3A_6 = arith.muli %min3A, %mul3A_5 : i32
    "tpu.region"() ({
      %run_scoped3A = tpu.sem_alloc : memref<!tpu.dma_semaphore, #tpu.memory_space<semaphore_mem>>
      %dma_start3A = tpu.memref_slice %arg2[%mul3A_6] : memref<393216xi32, #tpu.memory_space<hbm>> -> memref<16704xi32, #tpu.memory_space<hbm>>
      %dma_start3A_23 = tpu.memref_slice %arg2[%mul3A_6] : memref<393216xi32, #tpu.memory_space<hbm>> -> memref<16704xi32, #tpu.memory_space<hbm>>
      tpu.enqueue_dma source(%dma_start3A_23 : memref<16704xi32, #tpu.memory_space<hbm>>) target(%arg4 : memref<16704xi32, #tpu.memory_space<vmem>>) target_semaphore(%run_scoped3A : memref<!tpu.dma_semaphore, #tpu.memory_space<semaphore_mem>>)
      %dma_wait3A = tpu.memref_slice %arg2[%mul3A_6] : memref<393216xi32, #tpu.memory_space<hbm>> -> memref<16704xi32, #tpu.memory_space<hbm>>
      %dma_wait3A_24 = tpu.memref_slice %arg2[%mul3A_6] : memref<393216xi32, #tpu.memory_space<hbm>> -> memref<16704xi32, #tpu.memory_space<hbm>>
      tpu.wait_dma2 semaphore(%run_scoped3A : memref<!tpu.dma_semaphore, #tpu.memory_space<semaphore_mem>>) src(%dma_wait3A_24 : memref<16704xi32, #tpu.memory_space<hbm>>) dst(%arg4 : memref<16704xi32, #tpu.memory_space<vmem>>)
      tpu.yield
    }) : () -> ()
    %broadcast_in_dim3A = arith.constant 0.000000e+00 : f32
    %broadcast_in_dim3A_7 = vector.broadcast %broadcast_in_dim3A : f32 to vector<16xf32>
    %scan3A = arith.constant 0 : i32
    %scan3A_8 = arith.constant 0 : i32
    %scan3A_9 = arith.constant 2400 : i32
    %scan3A_10 = arith.addi %scan3A_8, %scan3A_9 : i32
    %scan3A_11 = arith.constant 1 : i32
    scf.for %scan3A_23 = %scan3A_8 to %scan3A_10 step %scan3A_11  : i32 {
      %mul3A_24 = arith.constant 16 : i32
      %mul3A_25 = arith.muli %scan3A_23, %mul3A_24 : i32
      %swap3A = arith.index_cast %mul3A_25 : i32 to index
      %swap3A_26 = tpu.vector_load %arg5[%swap3A] {strides = array<i32>} : memref<38400xf32, #tpu.memory_space<vmem>>, vector<16xf32>,
      tpu.vector_store %arg5[%swap3A], %broadcast_in_dim3A_7 {strides = array<i32>} : memref<38400xf32, #tpu.memory_space<vmem>>, vector<16xf32>,
    }
    %scan3A_12 = arith.constant 2400 : i32
    %iota3A = tpu.iota {dimensions = array<i32: 0>} : vector<16xi32>
    %broadcast_in_dim3A_13 = arith.constant 1.000000e+00 : f32
    %broadcast_in_dim3A_14 = vector.broadcast %broadcast_in_dim3A_13 : f32 to vector<16xf32>
    %scan3A_15 = arith.constant 0 : i32
    %scan3A_16 = arith.constant 0 : i32
    %scan3A_17 = arith.constant 174 : i32
    %scan3A_18 = arith.addi %scan3A_16, %scan3A_17 : i32
    %scan3A_19 = arith.constant 1 : i32
    scf.for %scan3A_23 = %scan3A_16 to %scan3A_18 step %scan3A_19  : i32 {
      %add3A_24 = arith.addi %min3A, %scan3A_23 : i32
      %mul3A_25 = arith.constant 96 : i32
      %mul3A_26 = arith.muli %scan3A_23, %mul3A_25 : i32
      %add3A_27 = arith.constant 0 : i32
      %add3A_28 = arith.addi %mul3A_26, %add3A_27 : i32
      %get3A = arith.index_cast %add3A_28 : i32 to index
      %get3A_29 = tpu.vector_load %arg4[%get3A] {strides = array<i32>} : memref<16704xi32, #tpu.memory_space<vmem>>, vector<16xi32>,
      %add3A_30 = arith.constant 48 : i32
      %add3A_31 = arith.addi %mul3A_26, %add3A_30 : i32
      %add3A_32 = arith.constant 0 : i32
      %add3A_33 = arith.addi %add3A_31, %add3A_32 : i32
      %get3A_34 = arith.index_cast %add3A_33 : i32 to index
      %get3A_35 = tpu.vector_load %arg4[%get3A_34] {strides = array<i32>} : memref<16704xi32, #tpu.memory_space<vmem>>, vector<16xi32>,
      %add3A_36 = vector.broadcast %add3A_24 : i32 to vector<16xi32>
      %add3A_37 = arith.addi %get3A_35, %add3A_36 : vector<16xi32>
      %sub3A_38 = vector.broadcast %mul3A_2 : i32 to vector<16xi32>
      %sub3A_39 = arith.subi %add3A_37, %sub3A_38 : vector<16xi32>
      %ge3A = arith.constant 0 : i32
      %ge3A_40 = vector.broadcast %ge3A : i32 to vector<16xi32>
      %ge3A_41 = arith.cmpi sge, %sub3A_39, %ge3A_40 : vector<16xi32>
      %lt3A = arith.constant 150 : i32
      %lt3A_42 = vector.broadcast %lt3A : i32 to vector<16xi32>
      %lt3A_43 = arith.cmpi slt, %sub3A_39, %lt3A_42 : vector<16xi32>
      %and3A = arith.andi %ge3A_41, %lt3A_43 : vector<16xi1>
      %div3A = arith.constant 200 : i32
      %div3A_44 = vector.broadcast %div3A : i32 to vector<16xi32>
      %div3A_45 = arith.divsi %add3A_37, %div3A_44 : vector<16xi32>
      %mul3A_46 = arith.constant 200 : i32
      %mul3A_47 = vector.broadcast %mul3A_46 : i32 to vector<16xi32>
      %mul3A_48 = arith.muli %div3A_45, %mul3A_47 : vector<16xi32>
      %sub3A_49 = arith.subi %add3A_37, %mul3A_48 : vector<16xi32>
      %sub3A_50 = arith.subi %get3A_29, %get3A_35 : vector<16xi32>
      %add3A_51 = arith.addi %sub3A_49, %sub3A_50 : vector<16xi32>
      %add3A_52 = arith.constant 24 : i32
      %add3A_53 = vector.broadcast %add3A_52 : i32 to vector<16xi32>
      %add3A_54 = arith.addi %add3A_51, %add3A_53 : vector<16xi32>
      %mul3A_55 = arith.constant 256 : i32
      %mul3A_56 = vector.broadcast %mul3A_55 : i32 to vector<16xi32>
      %mul3A_57 = arith.muli %sub3A_39, %mul3A_56 : vector<16xi32>
      %add3A_58 = arith.addi %mul3A_57, %add3A_54 : vector<16xi32>
      %jit3A_59 = arith.constant 0 : i32
      %broadcast_in_dim3A_60 = vector.broadcast %jit3A_59 : i32 to vector<16xi32>
      %select_n3A = arith.select %and3A, %add3A_58, %broadcast_in_dim3A_60 : vector<16xi1>, vector<16xi32>
      %eq3A = arith.constant 0 : i32
      %eq3A_61 = vector.broadcast %eq3A : i32 to vector<16xi32>
      %eq3A_62 = arith.cmpi eq, %iota3A, %eq3A_61 : vector<16xi32>
      %and3A_63 = arith.andi %and3A, %eq3A_62 : vector<16xi1>
      tpu.vector_store_idx %arg5[%select_n3A], %broadcast_in_dim3A_14 masked %and3A_63 {add = true} : memref<38400xf32, #tpu.memory_space<vmem>>[vector<16xi32>], vector<16xf32>, vector<16xi1>
      %eq3A_64 = arith.constant 1 : i32
      %eq3A_65 = vector.broadcast %eq3A_64 : i32 to vector<16xi32>
      %eq3A_66 = arith.cmpi eq, %iota3A, %eq3A_65 : vector<16xi32>
      %and3A_67 = arith.andi %and3A, %eq3A_66 : vector<16xi1>
      tpu.vector_store_idx %arg5[%select_n3A], %broadcast_in_dim3A_14 masked %and3A_67 {add = true} : memref<38400xf32, #tpu.memory_space<vmem>>[vector<16xi32>], vector<16xf32>, vector<16xi1>
      %eq3A_68 = arith.constant 2 : i32
      %eq3A_69 = vector.broadcast %eq3A_68 : i32 to vector<16xi32>
      %eq3A_70 = arith.cmpi eq, %iota3A, %eq3A_69 : vector<16xi32>
      %and3A_71 = arith.andi %and3A, %eq3A_70 : vector<16xi1>
      tpu.vector_store_idx %arg5[%select_n3A], %broadcast_in_dim3A_14 masked %and3A_71 {add = true} : memref<38400xf32, #tpu.memory_space<vmem>>[vector<16xi32>], vector<16xf32>, vector<16xi1>
      %eq3A_72 = arith.constant 3 : i32
      %eq3A_73 = vector.broadcast %eq3A_72 : i32 to vector<16xi32>
      %eq3A_74 = arith.cmpi eq, %iota3A, %eq3A_73 : vector<16xi32>
      %and3A_75 = arith.andi %and3A, %eq3A_74 : vector<16xi1>
      tpu.vector_store_idx %arg5[%select_n3A], %broadcast_in_dim3A_14 masked %and3A_75 {add = true} : memref<38400xf32, #tpu.memory_space<vmem>>[vector<16xi32>], vector<16xf32>, vector<16xi1>
      %eq3A_76 = arith.constant 4 : i32
      %eq3A_77 = vector.broadcast %eq3A_76 : i32 to vector<16xi32>
      %eq3A_78 = arith.cmpi eq, %iota3A, %eq3A_77 : vector<16xi32>
      %and3A_79 = arith.andi %and3A, %eq3A_78 : vector<16xi1>
      tpu.vector_store_idx %arg5[%select_n3A], %broadcast_in_dim3A_14 masked %and3A_79 {add = true} : memref<38400xf32, #tpu.memory_space<vmem>>[vector<16xi32>], vector<16xf32>, vector<16xi1>
      %eq3A_80 = arith.constant 5 : i32
      %eq3A_81 = vector.broadcast %eq3A_80 : i32 to vector<16xi32>
      %eq3A_82 = arith.cmpi eq, %iota3A, %eq3A_81 : vector<16xi32>
      %and3A_83 = arith.andi %and3A, %eq3A_82 : vector<16xi1>
      tpu.vector_store_idx %arg5[%select_n3A], %broadcast_in_dim3A_14 masked %and3A_83 {add = true} : memref<38400xf32, #tpu.memory_space<vmem>>[vector<16xi32>], vector<16xf32>, vector<16xi1>
      %eq3A_84 = arith.constant 6 : i32
      %eq3A_85 = vector.broadcast %eq3A_84 : i32 to vector<16xi32>
      %eq3A_86 = arith.cmpi eq, %iota3A, %eq3A_85 : vector<16xi32>
      %and3A_87 = arith.andi %and3A, %eq3A_86 : vector<16xi1>
      tpu.vector_store_idx %arg5[%select_n3A], %broadcast_in_dim3A_14 masked %and3A_87 {add = true} : memref<38400xf32, #tpu.memory_space<vmem>>[vector<16xi32>], vector<16xf32>, vector<16xi1>
      %eq3A_88 = arith.constant 7 : i32
      %eq3A_89 = vector.broadcast %eq3A_88 : i32 to vector<16xi32>
      %eq3A_90 = arith.cmpi eq, %iota3A, %eq3A_89 : vector<16xi32>
      %and3A_91 = arith.andi %and3A, %eq3A_90 : vector<16xi1>
      tpu.vector_store_idx %arg5[%select_n3A], %broadcast_in_dim3A_14 masked %and3A_91 {add = true} : memref<38400xf32, #tpu.memory_space<vmem>>[vector<16xi32>], vector<16xf32>, vector<16xi1>
      %eq3A_92 = arith.constant 8 : i32
      %eq3A_93 = vector.broadcast %eq3A_92 : i32 to vector<16xi32>
      %eq3A_94 = arith.cmpi eq, %iota3A, %eq3A_93 : vector<16xi32>
      %and3A_95 = arith.andi %and3A, %eq3A_94 : vector<16xi1>
      tpu.vector_store_idx %arg5[%select_n3A], %broadcast_in_dim3A_14 masked %and3A_95 {add = true} : memref<38400xf32, #tpu.memory_space<vmem>>[vector<16xi32>], vector<16xf32>, vector<16xi1>
      %eq3A_96 = arith.constant 9 : i32
      %eq3A_97 = vector.broadcast %eq3A_96 : i32 to vector<16xi32>
      %eq3A_98 = arith.cmpi eq, %iota3A, %eq3A_97 : vector<16xi32>
      %and3A_99 = arith.andi %and3A, %eq3A_98 : vector<16xi1>
      tpu.vector_store_idx %arg5[%select_n3A], %broadcast_in_dim3A_14 masked %and3A_99 {add = true} : memref<38400xf32, #tpu.memory_space<vmem>>[vector<16xi32>], vector<16xf32>, vector<16xi1>
      %eq3A_100 = arith.constant 10 : i32
      %eq3A_101 = vector.broadcast %eq3A_100 : i32 to vector<16xi32>
      %eq3A_102 = arith.cmpi eq, %iota3A, %eq3A_101 : vector<16xi32>
      %and3A_103 = arith.andi %and3A, %eq3A_102 : vector<16xi1>
      tpu.vector_store_idx %arg5[%select_n3A], %broadcast_in_dim3A_14 masked %and3A_103 {add = true} : memref<38400xf32, #tpu.memory_space<vmem>>[vector<16xi32>], vector<16xf32>, vector<16xi1>
      %eq3A_104 = arith.constant 11 : i32
      %eq3A_105 = vector.broadcast %eq3A_104 : i32 to vector<16xi32>
      %eq3A_106 = arith.cmpi eq, %iota3A, %eq3A_105 : vector<16xi32>
      %and3A_107 = arith.andi %and3A, %eq3A_106 : vector<16xi1>
      tpu.vector_store_idx %arg5[%select_n3A], %broadcast_in_dim3A_14 masked %and3A_107 {add = true} : memref<38400xf32, #tpu.memory_space<vmem>>[vector<16xi32>], vector<16xf32>, vector<16xi1>
      %eq3A_108 = arith.constant 12 : i32
      %eq3A_109 = vector.broadcast %eq3A_108 : i32 to vector<16xi32>
      %eq3A_110 = arith.cmpi eq, %iota3A, %eq3A_109 : vector<16xi32>
      %and3A_111 = arith.andi %and3A, %eq3A_110 : vector<16xi1>
      tpu.vector_store_idx %arg5[%select_n3A], %broadcast_in_dim3A_14 masked %and3A_111 {add = true} : memref<38400xf32, #tpu.memory_space<vmem>>[vector<16xi32>], vector<16xf32>, vector<16xi1>
      %eq3A_112 = arith.constant 13 : i32
      %eq3A_113 = vector.broadcast %eq3A_112 : i32 to vector<16xi32>
      %eq3A_114 = arith.cmpi eq, %iota3A, %eq3A_113 : vector<16xi32>
      %and3A_115 = arith.andi %and3A, %eq3A_114 : vector<16xi1>
      tpu.vector_store_idx %arg5[%select_n3A], %broadcast_in_dim3A_14 masked %and3A_115 {add = true} : memref<38400xf32, #tpu.memory_space<vmem>>[vector<16xi32>], vector<16xf32>, vector<16xi1>
      %eq3A_116 = arith.constant 14 : i32
      %eq3A_117 = vector.broadcast %eq3A_116 : i32 to vector<16xi32>
      %eq3A_118 = arith.cmpi eq, %iota3A, %eq3A_117 : vector<16xi32>
      %and3A_119 = arith.andi %and3A, %eq3A_118 : vector<16xi1>
      tpu.vector_store_idx %arg5[%select_n3A], %broadcast_in_dim3A_14 masked %and3A_119 {add = true} : memref<38400xf32, #tpu.memory_space<vmem>>[vector<16xi32>], vector<16xf32>, vector<16xi1>
      %eq3A_120 = arith.constant 15 : i32
      %eq3A_121 = vector.broadcast %eq3A_120 : i32 to vector<16xi32>
      %eq3A_122 = arith.cmpi eq, %iota3A, %eq3A_121 : vector<16xi32>
      %and3A_123 = arith.andi %and3A, %eq3A_122 : vector<16xi1>
      tpu.vector_store_idx %arg5[%select_n3A], %broadcast_in_dim3A_14 masked %and3A_123 {add = true} : memref<38400xf32, #tpu.memory_space<vmem>>[vector<16xi32>], vector<16xf32>, vector<16xi1>
      %add3A_124 = arith.constant 16 : i32
      %add3A_125 = arith.addi %mul3A_26, %add3A_124 : i32
      %get3A_126 = arith.index_cast %add3A_125 : i32 to index
      %get3A_127 = tpu.vector_load %arg4[%get3A_126] {strides = array<i32>} : memref<16704xi32, #tpu.memory_space<vmem>>, vector<16xi32>,
      %add3A_128 = arith.constant 48 : i32
      %add3A_129 = arith.addi %mul3A_26, %add3A_128 : i32
      %add3A_130 = arith.constant 16 : i32
      %add3A_131 = arith.addi %add3A_129, %add3A_130 : i32
      %get3A_132 = arith.index_cast %add3A_131 : i32 to index
      %get3A_133 = tpu.vector_load %arg4[%get3A_132] {strides = array<i32>} : memref<16704xi32, #tpu.memory_space<vmem>>, vector<16xi32>,
      %add3A_134 = vector.broadcast %add3A_24 : i32 to vector<16xi32>
      %add3A_135 = arith.addi %get3A_133, %add3A_134 : vector<16xi32>
      %sub3A_136 = vector.broadcast %mul3A_2 : i32 to vector<16xi32>
      %sub3A_137 = arith.subi %add3A_135, %sub3A_136 : vector<16xi32>
      %ge3A_138 = arith.constant 0 : i32
      %ge3A_139 = vector.broadcast %ge3A_138 : i32 to vector<16xi32>
      %ge3A_140 = arith.cmpi sge, %sub3A_137, %ge3A_139 : vector<16xi32>
      %lt3A_141 = arith.constant 150 : i32
      %lt3A_142 = vector.broadcast %lt3A_141 : i32 to vector<16xi32>
      %lt3A_143 = arith.cmpi slt, %sub3A_137, %lt3A_142 : vector<16xi32>
      %and3A_144 = arith.andi %ge3A_140, %lt3A_143 : vector<16xi1>
      %div3A_145 = arith.constant 200 : i32
      %div3A_146 = vector.broadcast %div3A_145 : i32 to vector<16xi32>
      %div3A_147 = arith.divsi %add3A_135, %div3A_146 : vector<16xi32>
      %mul3A_148 = arith.constant 200 : i32
      %mul3A_149 = vector.broadcast %mul3A_148 : i32 to vector<16xi32>
      %mul3A_150 = arith.muli %div3A_147, %mul3A_149 : vector<16xi32>
      %sub3A_151 = arith.subi %add3A_135, %mul3A_150 : vector<16xi32>
      %sub3A_152 = arith.subi %get3A_127, %get3A_133 : vector<16xi32>
      %add3A_153 = arith.addi %sub3A_151, %sub3A_152 : vector<16xi32>
      %add3A_154 = arith.constant 24 : i32
      %add3A_155 = vector.broadcast %add3A_154 : i32 to vector<16xi32>
      %add3A_156 = arith.addi %add3A_153, %add3A_155 : vector<16xi32>
      %mul3A_157 = arith.constant 256 : i32
      %mul3A_158 = vector.broadcast %mul3A_157 : i32 to vector<16xi32>
      %mul3A_159 = arith.muli %sub3A_137, %mul3A_158 : vector<16xi32>
      %add3A_160 = arith.addi %mul3A_159, %add3A_156 : vector<16xi32>
      %jit3A_161 = arith.constant 0 : i32
      %broadcast_in_dim3A_162 = vector.broadcast %jit3A_161 : i32 to vector<16xi32>
      %select_n3A_163 = arith.select %and3A_144, %add3A_160, %broadcast_in_dim3A_162 : vector<16xi1>, vector<16xi32>
      %eq3A_164 = arith.constant 0 : i32
      %eq3A_165 = vector.broadcast %eq3A_164 : i32 to vector<16xi32>
      %eq3A_166 = arith.cmpi eq, %iota3A, %eq3A_165 : vector<16xi32>
      %and3A_167 = arith.andi %and3A_144, %eq3A_166 : vector<16xi1>
      tpu.vector_store_idx %arg5[%select_n3A_163], %broadcast_in_dim3A_14 masked %and3A_167 {add = true} : memref<38400xf32, #tpu.memory_space<vmem>>[vector<16xi32>], vector<16xf32>, vector<16xi1>
      %eq3A_168 = arith.constant 1 : i32
      %eq3A_169 = vector.broadcast %eq3A_168 : i32 to vector<16xi32>
      %eq3A_170 = arith.cmpi eq, %iota3A, %eq3A_169 : vector<16xi32>
      %and3A_171 = arith.andi %and3A_144, %eq3A_170 : vector<16xi1>
      tpu.vector_store_idx %arg5[%select_n3A_163], %broadcast_in_dim3A_14 masked %and3A_171 {add = true} : memref<38400xf32, #tpu.memory_space<vmem>>[vector<16xi32>], vector<16xf32>, vector<16xi1>
      %eq3A_172 = arith.constant 2 : i32
      %eq3A_173 = vector.broadcast %eq3A_172 : i32 to vector<16xi32>
      %eq3A_174 = arith.cmpi eq, %iota3A, %eq3A_173 : vector<16xi32>
      %and3A_175 = arith.andi %and3A_144, %eq3A_174 : vector<16xi1>
      tpu.vector_store_idx %arg5[%select_n3A_163], %broadcast_in_dim3A_14 masked %and3A_175 {add = true} : memref<38400xf32, #tpu.memory_space<vmem>>[vector<16xi32>], vector<16xf32>, vector<16xi1>
      %eq3A_176 = arith.constant 3 : i32
      %eq3A_177 = vector.broadcast %eq3A_176 : i32 to vector<16xi32>
      %eq3A_178 = arith.cmpi eq, %iota3A, %eq3A_177 : vector<16xi32>
      %and3A_179 = arith.andi %and3A_144, %eq3A_178 : vector<16xi1>
      tpu.vector_store_idx %arg5[%select_n3A_163], %broadcast_in_dim3A_14 masked %and3A_179 {add = true} : memref<38400xf32, #tpu.memory_space<vmem>>[vector<16xi32>], vector<16xf32>, vector<16xi1>
      %eq3A_180 = arith.constant 4 : i32
      %eq3A_181 = vector.broadcast %eq3A_180 : i32 to vector<16xi32>
      %eq3A_182 = arith.cmpi eq, %iota3A, %eq3A_181 : vector<16xi32>
      %and3A_183 = arith.andi %and3A_144, %eq3A_182 : vector<16xi1>
      tpu.vector_store_idx %arg5[%select_n3A_163], %broadcast_in_dim3A_14 masked %and3A_183 {add = true} : memref<38400xf32, #tpu.memory_space<vmem>>[vector<16xi32>], vector<16xf32>, vector<16xi1>
      %eq3A_184 = arith.constant 5 : i32
      %eq3A_185 = vector.broadcast %eq3A_184 : i32 to vector<16xi32>
      %eq3A_186 = arith.cmpi eq, %iota3A, %eq3A_185 : vector<16xi32>
      %and3A_187 = arith.andi %and3A_144, %eq3A_186 : vector<16xi1>
      tpu.vector_store_idx %arg5[%select_n3A_163], %broadcast_in_dim3A_14 masked %and3A_187 {add = true} : memref<38400xf32, #tpu.memory_space<vmem>>[vector<16xi32>], vector<16xf32>, vector<16xi1>
      %eq3A_188 = arith.constant 6 : i32
      %eq3A_189 = vector.broadcast %eq3A_188 : i32 to vector<16xi32>
      %eq3A_190 = arith.cmpi eq, %iota3A, %eq3A_189 : vector<16xi32>
      %and3A_191 = arith.andi %and3A_144, %eq3A_190 : vector<16xi1>
      tpu.vector_store_idx %arg5[%select_n3A_163], %broadcast_in_dim3A_14 masked %and3A_191 {add = true} : memref<38400xf32, #tpu.memory_space<vmem>>[vector<16xi32>], vector<16xf32>, vector<16xi1>
      %eq3A_192 = arith.constant 7 : i32
      %eq3A_193 = vector.broadcast %eq3A_192 : i32 to vector<16xi32>
      %eq3A_194 = arith.cmpi eq, %iota3A, %eq3A_193 : vector<16xi32>
      %and3A_195 = arith.andi %and3A_144, %eq3A_194 : vector<16xi1>
      tpu.vector_store_idx %arg5[%select_n3A_163], %broadcast_in_dim3A_14 masked %and3A_195 {add = true} : memref<38400xf32, #tpu.memory_space<vmem>>[vector<16xi32>], vector<16xf32>, vector<16xi1>
      %eq3A_196 = arith.constant 8 : i32
      %eq3A_197 = vector.broadcast %eq3A_196 : i32 to vector<16xi32>
      %eq3A_198 = arith.cmpi eq, %iota3A, %eq3A_197 : vector<16xi32>
      %and3A_199 = arith.andi %and3A_144, %eq3A_198 : vector<16xi1>
      tpu.vector_store_idx %arg5[%select_n3A_163], %broadcast_in_dim3A_14 masked %and3A_199 {add = true} : memref<38400xf32, #tpu.memory_space<vmem>>[vector<16xi32>], vector<16xf32>, vector<16xi1>
      %eq3A_200 = arith.constant 9 : i32
      %eq3A_201 = vector.broadcast %eq3A_200 : i32 to vector<16xi32>
      %eq3A_202 = arith.cmpi eq, %iota3A, %eq3A_201 : vector<16xi32>
      %and3A_203 = arith.andi %and3A_144, %eq3A_202 : vector<16xi1>
      tpu.vector_store_idx %arg5[%select_n3A_163], %broadcast_in_dim3A_14 masked %and3A_203 {add = true} : memref<38400xf32, #tpu.memory_space<vmem>>[vector<16xi32>], vector<16xf32>, vector<16xi1>
      %eq3A_204 = arith.constant 10 : i32
      %eq3A_205 = vector.broadcast %eq3A_204 : i32 to vector<16xi32>
      %eq3A_206 = arith.cmpi eq, %iota3A, %eq3A_205 : vector<16xi32>
      %and3A_207 = arith.andi %and3A_144, %eq3A_206 : vector<16xi1>
      tpu.vector_store_idx %arg5[%select_n3A_163], %broadcast_in_dim3A_14 masked %and3A_207 {add = true} : memref<38400xf32, #tpu.memory_space<vmem>>[vector<16xi32>], vector<16xf32>, vector<16xi1>
      %eq3A_208 = arith.constant 11 : i32
      %eq3A_209 = vector.broadcast %eq3A_208 : i32 to vector<16xi32>
      %eq3A_210 = arith.cmpi eq, %iota3A, %eq3A_209 : vector<16xi32>
      %and3A_211 = arith.andi %and3A_144, %eq3A_210 : vector<16xi1>
      tpu.vector_store_idx %arg5[%select_n3A_163], %broadcast_in_dim3A_14 masked %and3A_211 {add = true} : memref<38400xf32, #tpu.memory_space<vmem>>[vector<16xi32>], vector<16xf32>, vector<16xi1>
      %eq3A_212 = arith.constant 12 : i32
      %eq3A_213 = vector.broadcast %eq3A_212 : i32 to vector<16xi32>
      %eq3A_214 = arith.cmpi eq, %iota3A, %eq3A_213 : vector<16xi32>
      %and3A_215 = arith.andi %and3A_144, %eq3A_214 : vector<16xi1>
      tpu.vector_store_idx %arg5[%select_n3A_163], %broadcast_in_dim3A_14 masked %and3A_215 {add = true} : memref<38400xf32, #tpu.memory_space<vmem>>[vector<16xi32>], vector<16xf32>, vector<16xi1>
      %eq3A_216 = arith.constant 13 : i32
      %eq3A_217 = vector.broadcast %eq3A_216 : i32 to vector<16xi32>
      %eq3A_218 = arith.cmpi eq, %iota3A, %eq3A_217 : vector<16xi32>
      %and3A_219 = arith.andi %and3A_144, %eq3A_218 : vector<16xi1>
      tpu.vector_store_idx %arg5[%select_n3A_163], %broadcast_in_dim3A_14 masked %and3A_219 {add = true} : memref<38400xf32, #tpu.memory_space<vmem>>[vector<16xi32>], vector<16xf32>, vector<16xi1>
      %eq3A_220 = arith.constant 14 : i32
      %eq3A_221 = vector.broadcast %eq3A_220 : i32 to vector<16xi32>
      %eq3A_222 = arith.cmpi eq, %iota3A, %eq3A_221 : vector<16xi32>
      %and3A_223 = arith.andi %and3A_144, %eq3A_222 : vector<16xi1>
      tpu.vector_store_idx %arg5[%select_n3A_163], %broadcast_in_dim3A_14 masked %and3A_223 {add = true} : memref<38400xf32, #tpu.memory_space<vmem>>[vector<16xi32>], vector<16xf32>, vector<16xi1>
      %eq3A_224 = arith.constant 15 : i32
      %eq3A_225 = vector.broadcast %eq3A_224 : i32 to vector<16xi32>
      %eq3A_226 = arith.cmpi eq, %iota3A, %eq3A_225 : vector<16xi32>
      %and3A_227 = arith.andi %and3A_144, %eq3A_226 : vector<16xi1>
      tpu.vector_store_idx %arg5[%select_n3A_163], %broadcast_in_dim3A_14 masked %and3A_227 {add = true} : memref<38400xf32, #tpu.memory_space<vmem>>[vector<16xi32>], vector<16xf32>, vector<16xi1>
      %add3A_228 = arith.constant 32 : i32
      %add3A_229 = arith.addi %mul3A_26, %add3A_228 : i32
      %get3A_230 = arith.index_cast %add3A_229 : i32 to index
      %get3A_231 = tpu.vector_load %arg4[%get3A_230] {strides = array<i32>} : memref<16704xi32, #tpu.memory_space<vmem>>, vector<16xi32>,
      %add3A_232 = arith.constant 48 : i32
      %add3A_233 = arith.addi %mul3A_26, %add3A_232 : i32
      %add3A_234 = arith.constant 32 : i32
      %add3A_235 = arith.addi %add3A_233, %add3A_234 : i32
      %get3A_236 = arith.index_cast %add3A_235 : i32 to index
      %get3A_237 = tpu.vector_load %arg4[%get3A_236] {strides = array<i32>} : memref<16704xi32, #tpu.memory_space<vmem>>, vector<16xi32>,
      %add3A_238 = vector.broadcast %add3A_24 : i32 to vector<16xi32>
      %add3A_239 = arith.addi %get3A_237, %add3A_238 : vector<16xi32>
      %sub3A_240 = vector.broadcast %mul3A_2 : i32 to vector<16xi32>
      %sub3A_241 = arith.subi %add3A_239, %sub3A_240 : vector<16xi32>
      %ge3A_242 = arith.constant 0 : i32
      %ge3A_243 = vector.broadcast %ge3A_242 : i32 to vector<16xi32>
      %ge3A_244 = arith.cmpi sge, %sub3A_241, %ge3A_243 : vector<16xi32>
      %lt3A_245 = arith.constant 150 : i32
      %lt3A_246 = vector.broadcast %lt3A_245 : i32 to vector<16xi32>
      %lt3A_247 = arith.cmpi slt, %sub3A_241, %lt3A_246 : vector<16xi32>
      %and3A_248 = arith.andi %ge3A_244, %lt3A_247 : vector<16xi1>
      %div3A_249 = arith.constant 200 : i32
      %div3A_250 = vector.broadcast %div3A_249 : i32 to vector<16xi32>
      %div3A_251 = arith.divsi %add3A_239, %div3A_250 : vector<16xi32>
      %mul3A_252 = arith.constant 200 : i32
      %mul3A_253 = vector.broadcast %mul3A_252 : i32 to vector<16xi32>
      %mul3A_254 = arith.muli %div3A_251, %mul3A_253 : vector<16xi32>
      %sub3A_255 = arith.subi %add3A_239, %mul3A_254 : vector<16xi32>
      %sub3A_256 = arith.subi %get3A_231, %get3A_237 : vector<16xi32>
      %add3A_257 = arith.addi %sub3A_255, %sub3A_256 : vector<16xi32>
      %add3A_258 = arith.constant 24 : i32
      %add3A_259 = vector.broadcast %add3A_258 : i32 to vector<16xi32>
      %add3A_260 = arith.addi %add3A_257, %add3A_259 : vector<16xi32>
      %mul3A_261 = arith.constant 256 : i32
      %mul3A_262 = vector.broadcast %mul3A_261 : i32 to vector<16xi32>
      %mul3A_263 = arith.muli %sub3A_241, %mul3A_262 : vector<16xi32>
      %add3A_264 = arith.addi %mul3A_263, %add3A_260 : vector<16xi32>
      %jit3A_265 = arith.constant 0 : i32
      %broadcast_in_dim3A_266 = vector.broadcast %jit3A_265 : i32 to vector<16xi32>
      %select_n3A_267 = arith.select %and3A_248, %add3A_264, %broadcast_in_dim3A_266 : vector<16xi1>, vector<16xi32>
      %eq3A_268 = arith.constant 0 : i32
      %eq3A_269 = vector.broadcast %eq3A_268 : i32 to vector<16xi32>
      %eq3A_270 = arith.cmpi eq, %iota3A, %eq3A_269 : vector<16xi32>
      %and3A_271 = arith.andi %and3A_248, %eq3A_270 : vector<16xi1>
      tpu.vector_store_idx %arg5[%select_n3A_267], %broadcast_in_dim3A_14 masked %and3A_271 {add = true} : memref<38400xf32, #tpu.memory_space<vmem>>[vector<16xi32>], vector<16xf32>, vector<16xi1>
      %eq3A_272 = arith.constant 1 : i32
      %eq3A_273 = vector.broadcast %eq3A_272 : i32 to vector<16xi32>
      %eq3A_274 = arith.cmpi eq, %iota3A, %eq3A_273 : vector<16xi32>
      %and3A_275 = arith.andi %and3A_248, %eq3A_274 : vector<16xi1>
      tpu.vector_store_idx %arg5[%select_n3A_267], %broadcast_in_dim3A_14 masked %and3A_275 {add = true} : memref<38400xf32, #tpu.memory_space<vmem>>[vector<16xi32>], vector<16xf32>, vector<16xi1>
      %eq3A_276 = arith.constant 2 : i32
      %eq3A_277 = vector.broadcast %eq3A_276 : i32 to vector<16xi32>
      %eq3A_278 = arith.cmpi eq, %iota3A, %eq3A_277 : vector<16xi32>
      %and3A_279 = arith.andi %and3A_248, %eq3A_278 : vector<16xi1>
      tpu.vector_store_idx %arg5[%select_n3A_267], %broadcast_in_dim3A_14 masked %and3A_279 {add = true} : memref<38400xf32, #tpu.memory_space<vmem>>[vector<16xi32>], vector<16xf32>, vector<16xi1>
      %eq3A_280 = arith.constant 3 : i32
      %eq3A_281 = vector.broadcast %eq3A_280 : i32 to vector<16xi32>
      %eq3A_282 = arith.cmpi eq, %iota3A, %eq3A_281 : vector<16xi32>
      %and3A_283 = arith.andi %and3A_248, %eq3A_282 : vector<16xi1>
      tpu.vector_store_idx %arg5[%select_n3A_267], %broadcast_in_dim3A_14 masked %and3A_283 {add = true} : memref<38400xf32, #tpu.memory_space<vmem>>[vector<16xi32>], vector<16xf32>, vector<16xi1>
      %eq3A_284 = arith.constant 4 : i32
      %eq3A_285 = vector.broadcast %eq3A_284 : i32 to vector<16xi32>
      %eq3A_286 = arith.cmpi eq, %iota3A, %eq3A_285 : vector<16xi32>
      %and3A_287 = arith.andi %and3A_248, %eq3A_286 : vector<16xi1>
      tpu.vector_store_idx %arg5[%select_n3A_267], %broadcast_in_dim3A_14 masked %and3A_287 {add = true} : memref<38400xf32, #tpu.memory_space<vmem>>[vector<16xi32>], vector<16xf32>, vector<16xi1>
      %eq3A_288 = arith.constant 5 : i32
      %eq3A_289 = vector.broadcast %eq3A_288 : i32 to vector<16xi32>
      %eq3A_290 = arith.cmpi eq, %iota3A, %eq3A_289 : vector<16xi32>
      %and3A_291 = arith.andi %and3A_248, %eq3A_290 : vector<16xi1>
      tpu.vector_store_idx %arg5[%select_n3A_267], %broadcast_in_dim3A_14 masked %and3A_291 {add = true} : memref<38400xf32, #tpu.memory_space<vmem>>[vector<16xi32>], vector<16xf32>, vector<16xi1>
      %eq3A_292 = arith.constant 6 : i32
      %eq3A_293 = vector.broadcast %eq3A_292 : i32 to vector<16xi32>
      %eq3A_294 = arith.cmpi eq, %iota3A, %eq3A_293 : vector<16xi32>
      %and3A_295 = arith.andi %and3A_248, %eq3A_294 : vector<16xi1>
      tpu.vector_store_idx %arg5[%select_n3A_267], %broadcast_in_dim3A_14 masked %and3A_295 {add = true} : memref<38400xf32, #tpu.memory_space<vmem>>[vector<16xi32>], vector<16xf32>, vector<16xi1>
      %eq3A_296 = arith.constant 7 : i32
      %eq3A_297 = vector.broadcast %eq3A_296 : i32 to vector<16xi32>
      %eq3A_298 = arith.cmpi eq, %iota3A, %eq3A_297 : vector<16xi32>
      %and3A_299 = arith.andi %and3A_248, %eq3A_298 : vector<16xi1>
      tpu.vector_store_idx %arg5[%select_n3A_267], %broadcast_in_dim3A_14 masked %and3A_299 {add = true} : memref<38400xf32, #tpu.memory_space<vmem>>[vector<16xi32>], vector<16xf32>, vector<16xi1>
      %eq3A_300 = arith.constant 8 : i32
      %eq3A_301 = vector.broadcast %eq3A_300 : i32 to vector<16xi32>
      %eq3A_302 = arith.cmpi eq, %iota3A, %eq3A_301 : vector<16xi32>
      %and3A_303 = arith.andi %and3A_248, %eq3A_302 : vector<16xi1>
      tpu.vector_store_idx %arg5[%select_n3A_267], %broadcast_in_dim3A_14 masked %and3A_303 {add = true} : memref<38400xf32, #tpu.memory_space<vmem>>[vector<16xi32>], vector<16xf32>, vector<16xi1>
      %eq3A_304 = arith.constant 9 : i32
      %eq3A_305 = vector.broadcast %eq3A_304 : i32 to vector<16xi32>
      %eq3A_306 = arith.cmpi eq, %iota3A, %eq3A_305 : vector<16xi32>
      %and3A_307 = arith.andi %and3A_248, %eq3A_306 : vector<16xi1>
      tpu.vector_store_idx %arg5[%select_n3A_267], %broadcast_in_dim3A_14 masked %and3A_307 {add = true} : memref<38400xf32, #tpu.memory_space<vmem>>[vector<16xi32>], vector<16xf32>, vector<16xi1>
      %eq3A_308 = arith.constant 10 : i32
      %eq3A_309 = vector.broadcast %eq3A_308 : i32 to vector<16xi32>
      %eq3A_310 = arith.cmpi eq, %iota3A, %eq3A_309 : vector<16xi32>
      %and3A_311 = arith.andi %and3A_248, %eq3A_310 : vector<16xi1>
      tpu.vector_store_idx %arg5[%select_n3A_267], %broadcast_in_dim3A_14 masked %and3A_311 {add = true} : memref<38400xf32, #tpu.memory_space<vmem>>[vector<16xi32>], vector<16xf32>, vector<16xi1>
      %eq3A_312 = arith.constant 11 : i32
      %eq3A_313 = vector.broadcast %eq3A_312 : i32 to vector<16xi32>
      %eq3A_314 = arith.cmpi eq, %iota3A, %eq3A_313 : vector<16xi32>
      %and3A_315 = arith.andi %and3A_248, %eq3A_314 : vector<16xi1>
      tpu.vector_store_idx %arg5[%select_n3A_267], %broadcast_in_dim3A_14 masked %and3A_315 {add = true} : memref<38400xf32, #tpu.memory_space<vmem>>[vector<16xi32>], vector<16xf32>, vector<16xi1>
      %eq3A_316 = arith.constant 12 : i32
      %eq3A_317 = vector.broadcast %eq3A_316 : i32 to vector<16xi32>
      %eq3A_318 = arith.cmpi eq, %iota3A, %eq3A_317 : vector<16xi32>
      %and3A_319 = arith.andi %and3A_248, %eq3A_318 : vector<16xi1>
      tpu.vector_store_idx %arg5[%select_n3A_267], %broadcast_in_dim3A_14 masked %and3A_319 {add = true} : memref<38400xf32, #tpu.memory_space<vmem>>[vector<16xi32>], vector<16xf32>, vector<16xi1>
      %eq3A_320 = arith.constant 13 : i32
      %eq3A_321 = vector.broadcast %eq3A_320 : i32 to vector<16xi32>
      %eq3A_322 = arith.cmpi eq, %iota3A, %eq3A_321 : vector<16xi32>
      %and3A_323 = arith.andi %and3A_248, %eq3A_322 : vector<16xi1>
      tpu.vector_store_idx %arg5[%select_n3A_267], %broadcast_in_dim3A_14 masked %and3A_323 {add = true} : memref<38400xf32, #tpu.memory_space<vmem>>[vector<16xi32>], vector<16xf32>, vector<16xi1>
      %eq3A_324 = arith.constant 14 : i32
      %eq3A_325 = vector.broadcast %eq3A_324 : i32 to vector<16xi32>
      %eq3A_326 = arith.cmpi eq, %iota3A, %eq3A_325 : vector<16xi32>
      %and3A_327 = arith.andi %and3A_248, %eq3A_326 : vector<16xi1>
      tpu.vector_store_idx %arg5[%select_n3A_267], %broadcast_in_dim3A_14 masked %and3A_327 {add = true} : memref<38400xf32, #tpu.memory_space<vmem>>[vector<16xi32>], vector<16xf32>, vector<16xi1>
      %eq3A_328 = arith.constant 15 : i32
      %eq3A_329 = vector.broadcast %eq3A_328 : i32 to vector<16xi32>
      %eq3A_330 = arith.cmpi eq, %iota3A, %eq3A_329 : vector<16xi32>
      %and3A_331 = arith.andi %and3A_248, %eq3A_330 : vector<16xi1>
      tpu.vector_store_idx %arg5[%select_n3A_267], %broadcast_in_dim3A_14 masked %and3A_331 {add = true} : memref<38400xf32, #tpu.memory_space<vmem>>[vector<16xi32>], vector<16xf32>, vector<16xi1>
    }
    %scan3A_20 = arith.constant 174 : i32
    %mul3A_21 = arith.constant 38400 : i32
    %mul3A_22 = arith.muli %add3A, %mul3A_21 : i32
    "tpu.region"() ({
      %run_scoped3A = tpu.sem_alloc : memref<!tpu.dma_semaphore, #tpu.memory_space<semaphore_mem>>
      %dma_start3A = tpu.memref_slice %arg3[%mul3A_22] : memref<1228800xf32, #tpu.memory_space<hbm>> -> memref<38400xf32, #tpu.memory_space<hbm>>
      %dma_start3A_23 = tpu.memref_slice %arg3[%mul3A_22] : memref<1228800xf32, #tpu.memory_space<hbm>> -> memref<38400xf32, #tpu.memory_space<hbm>>
      tpu.enqueue_dma source(%arg5 : memref<38400xf32, #tpu.memory_space<vmem>>) target(%dma_start3A_23 : memref<38400xf32, #tpu.memory_space<hbm>>) target_semaphore(%run_scoped3A : memref<!tpu.dma_semaphore, #tpu.memory_space<semaphore_mem>>)
      %dma_wait3A = tpu.memref_slice %arg3[%mul3A_22] : memref<1228800xf32, #tpu.memory_space<hbm>> -> memref<38400xf32, #tpu.memory_space<hbm>>
      %dma_wait3A_24 = tpu.memref_slice %arg3[%mul3A_22] : memref<1228800xf32, #tpu.memory_space<hbm>> -> memref<38400xf32, #tpu.memory_space<hbm>>
      tpu.wait_dma2 semaphore(%run_scoped3A : memref<!tpu.dma_semaphore, #tpu.memory_space<semaphore_mem>>) src(%arg5 : memref<38400xf32, #tpu.memory_space<vmem>>) dst(%dma_wait3A_24 : memref<38400xf32, #tpu.memory_space<hbm>>)
      tpu.yield
    }) : () -> ()
    return
  }
}

module attributes {stable_mosaic.version = 14 : i64} {
  func.func @_pass1_body(%arg0: i32, %arg1: memref<64x25x128xf32, #tpu.memory_space<vmem>>, %arg2: memref<8x128xf32, #tpu.memory_space<vmem>>, %arg3: memref<128x128xf32, #tpu.memory_space<vmem>>, %arg4: memref<1600x128xbf16, #tpu.memory_space<vmem>>, %arg5: memref<8x128xf32, #tpu.memory_space<vmem>>) attributes {dimension_semantics = [#tpu.dimension_semantics<arbitrary>], iteration_bounds = array<i64: 64>, scalar_prefetch = 0 : i64, scratch_operands = 0 : i64, tpu.core_type = #tpu.core_type<tc>, window_params = [{transform_indices = @transform_0, window_bounds = array<i64: 64, 25, 128>}, {pipeline_mode = #tpu.pipeline_mode<synchronous>, transform_indices = @transform_1, window_bounds = array<i64: 8, 128>}, {pipeline_mode = #tpu.pipeline_mode<synchronous>, transform_indices = @transform_2, window_bounds = array<i64: 128, 128>}, {transform_indices = @transform_3, window_bounds = array<i64: 1600, 128>}, {pipeline_mode = #tpu.pipeline_mode<synchronous>, transform_indices = @transform_4, window_bounds = array<i64: 8, 128>}]} {
    %get3A = arith.constant 0 : index
    %get3A_0 = arith.constant 0 : index
    %get3A_1 = arith.constant 0 : index
    %get3A_2 = vector.load %arg1[%get3A, %get3A_0, %get3A_1] : memref<64x25x128xf32, #tpu.memory_space<vmem>>, vector<64x25x128xf32>
    %reshape3A = vector.shape_cast %get3A_2 : vector<64x25x128xf32> to vector<1600x128xf32>
    %get3A_3 = arith.constant 3 : index
    %get3A_4 = arith.constant 0 : index
    %get3A_5 = vector.load %arg2[%get3A_3, %get3A_4] : memref<8x128xf32, #tpu.memory_space<vmem>>, vector<1x128xf32>
    %get3A_6 = vector.shape_cast %get3A_5 : vector<1x128xf32> to vector<128xf32>
    %get3A_7 = arith.constant 0 : index
    %get3A_8 = arith.constant 0 : index
    %get3A_9 = vector.load %arg3[%get3A_7, %get3A_8] : memref<128x128xf32, #tpu.memory_space<vmem>>, vector<128x128xf32>
    %dot_general3A = arith.constant dense<0.000000e+00> : vector<1600x128xf32>
    %dot_general3A_10 = tpu.matmul %reshape3A, %get3A_9, %dot_general3A {dimension_numbers = #tpu.dot_dimension_numbers<[1], [1], [0], [0], [0, 0, 1, 0], [], []>, transpose_lhs_hint = false} : vector<1600x128xf32>, vector<128x128xf32>, vector<1600x128xf32> -> vector<1600x128xf32>
    %convert_element_type3A = arith.truncf %dot_general3A_10 : vector<1600x128xf32> to vector<1600x128xbf16>
    %swap3A = arith.constant 0 : index
    %swap3A_11 = arith.constant 0 : index
    %swap3A_12 = vector.load %arg4[%swap3A, %swap3A_11] : memref<1600x128xbf16, #tpu.memory_space<vmem>>, vector<1600x128xbf16>
    tpu.vector_store %arg4[%swap3A, %swap3A_11], %convert_element_type3A {strides = array<i32>} : memref<1600x128xbf16, #tpu.memory_space<vmem>>, vector<1600x128xbf16>,
    %broadcast_in_dim3A = vector.shape_cast %get3A_6 : vector<128xf32> to vector<1x128xf32>
    %add3A = vector.broadcast %broadcast_in_dim3A : vector<1x128xf32> to vector<1600x128xf32>
    %add3A_13 = arith.addf %dot_general3A_10, %add3A : vector<1600x128xf32>
    %eq3A = arith.constant 0 : i32
    %eq3A_14 = arith.cmpi eq, %arg0, %eq3A : i32
    %convert_element_type3A_15 = arith.extui %eq3A_14 : i1 to i32
    %cond3A = arith.constant 0 : i32
    %cond3A_16 = arith.cmpi ne, %convert_element_type3A_15, %cond3A : i32
    scf.if %cond3A_16 {
      %broadcast_in_dim3A_36 = arith.constant 0.000000e+00 : f32
      %broadcast_in_dim3A_37 = vector.broadcast %broadcast_in_dim3A_36 : f32 to vector<8x128xf32>
      %swap3A_38 = arith.constant 0 : index
      %swap3A_39 = arith.constant 0 : index
      %swap3A_40 = vector.load %arg5[%swap3A_38, %swap3A_39] : memref<8x128xf32, #tpu.memory_space<vmem>>, vector<8x128xf32>
      tpu.vector_store %arg5[%swap3A_38, %swap3A_39], %broadcast_in_dim3A_37 {strides = array<i32>} : memref<8x128xf32, #tpu.memory_space<vmem>>, vector<8x128xf32>,
    } else {
    }
    %get3A_17 = arith.constant 0 : index
    %get3A_18 = arith.constant 0 : index
    %get3A_19 = vector.load %arg5[%get3A_17, %get3A_18] : memref<8x128xf32, #tpu.memory_space<vmem>>, vector<1x128xf32>
    %reduce_sum3A = arith.constant dense<0.000000e+00> : vector<128xf32>
    %reduce_sum3A_20 = vector.multi_reduction <add>, %add3A_13, %reduce_sum3A [0] : vector<1600x128xf32> to vector<128xf32>
    %broadcast_in_dim3A_21 = vector.shape_cast %reduce_sum3A_20 : vector<128xf32> to vector<1x128xf32>
    %add3A_22 = arith.addf %get3A_19, %broadcast_in_dim3A_21 : vector<1x128xf32>
    %swap3A_23 = arith.constant 0 : index
    %swap3A_24 = arith.constant 0 : index
    %swap3A_25 = vector.load %arg5[%swap3A_23, %swap3A_24] : memref<8x128xf32, #tpu.memory_space<vmem>>, vector<1x128xf32>
    tpu.vector_store %arg5[%swap3A_23, %swap3A_24], %add3A_22 {strides = array<i32>} : memref<8x128xf32, #tpu.memory_space<vmem>>, vector<1x128xf32>,
    %get3A_26 = arith.constant 1 : index
    %get3A_27 = arith.constant 0 : index
    %get3A_28 = vector.load %arg5[%get3A_26, %get3A_27] : memref<8x128xf32, #tpu.memory_space<vmem>>, vector<1x128xf32>
    %mul3A = arith.mulf %add3A_13, %add3A_13 : vector<1600x128xf32>
    %reduce_sum3A_29 = arith.constant dense<0.000000e+00> : vector<128xf32>
    %reduce_sum3A_30 = vector.multi_reduction <add>, %mul3A, %reduce_sum3A_29 [0] : vector<1600x128xf32> to vector<128xf32>
    %broadcast_in_dim3A_31 = vector.shape_cast %reduce_sum3A_30 : vector<128xf32> to vector<1x128xf32>
    %add3A_32 = arith.addf %get3A_28, %broadcast_in_dim3A_31 : vector<1x128xf32>
    %swap3A_33 = arith.constant 1 : index
    %swap3A_34 = arith.constant 0 : index
    %swap3A_35 = vector.load %arg5[%swap3A_33, %swap3A_34] : memref<8x128xf32, #tpu.memory_space<vmem>>, vector<1x128xf32>
    tpu.vector_store %arg5[%swap3A_33, %swap3A_34], %add3A_32 {strides = array<i32>} : memref<8x128xf32, #tpu.memory_space<vmem>>, vector<1x128xf32>,
    return
  }
  func.func @transform_0(%arg0: i32) -> (i32, i32, i32) {
    %c0_i32 = arith.constant 0 : i32
    %c0_i32_0 = arith.constant 0 : i32
    %c0_i32_1 = arith.constant 0 : i32
    return %arg0, %c0_i32, %c0_i32_0 : i32, i32, i32
  }
  func.func @transform_1(%arg0: i32) -> (i32, i32) {
    %c0_i32 = arith.constant 0 : i32
    %c0_i32_0 = arith.constant 0 : i32
    %c0_i32_1 = arith.constant 0 : i32
    return %c0_i32, %c0_i32_0 : i32, i32
  }
  func.func @transform_2(%arg0: i32) -> (i32, i32) {
    %c0_i32 = arith.constant 0 : i32
    %c0_i32_0 = arith.constant 0 : i32
    %c0_i32_1 = arith.constant 0 : i32
    return %c0_i32, %c0_i32_0 : i32, i32
  }
  func.func @transform_3(%arg0: i32) -> (i32, i32) {
    %c0_i32 = arith.constant 0 : i32
    %c0_i32_0 = arith.constant 0 : i32
    return %arg0, %c0_i32 : i32, i32
  }
  func.func @transform_4(%arg0: i32) -> (i32, i32) {
    %c0_i32 = arith.constant 0 : i32
    %c0_i32_0 = arith.constant 0 : i32
    %c0_i32_1 = arith.constant 0 : i32
    return %c0_i32, %c0_i32_0 : i32, i32
  }
}

module attributes {stable_mosaic.version = 14 : i64} {
  func.func @_d0_body(%arg0: i32, %arg1: memref<4096x32xf32, #tpu.memory_space<vmem>>, %arg2: memref<4096x16xf32, #tpu.memory_space<vmem>>, %arg3: memref<64x32xf32, #tpu.memory_space<vmem>>, %arg4: memref<32x16xf32, #tpu.memory_space<vmem>>, %arg5: memref<8x128xf32, #tpu.memory_space<vmem>>, %arg6: memref<4096x64xf32, #tpu.memory_space<vmem>>, %arg7: memref<4096x32xf32, #tpu.memory_space<vmem>>, %arg8: memref<8x128xf32, #tpu.memory_space<vmem>>) attributes {dimension_semantics = [#tpu.dimension_semantics<arbitrary>], iteration_bounds = array<i64: 1>, scalar_prefetch = 0 : i64, scratch_operands = 0 : i64, tpu.core_type = #tpu.core_type<tc>, window_params = [{pipeline_mode = #tpu.pipeline_mode<synchronous>, transform_indices = @transform_0, window_bounds = array<i64: 4096, 32>}, {pipeline_mode = #tpu.pipeline_mode<synchronous>, transform_indices = @transform_1, window_bounds = array<i64: 4096, 16>}, {pipeline_mode = #tpu.pipeline_mode<synchronous>, transform_indices = @transform_2, window_bounds = array<i64: 64, 32>}, {pipeline_mode = #tpu.pipeline_mode<synchronous>, transform_indices = @transform_3, window_bounds = array<i64: 32, 16>}, {pipeline_mode = #tpu.pipeline_mode<synchronous>, transform_indices = @transform_4, window_bounds = array<i64: 8, 128>}, {pipeline_mode = #tpu.pipeline_mode<synchronous>, transform_indices = @transform_5, window_bounds = array<i64: 4096, 64>}, {pipeline_mode = #tpu.pipeline_mode<synchronous>, transform_indices = @transform_6, window_bounds = array<i64: 4096, 32>}, {pipeline_mode = #tpu.pipeline_mode<synchronous>, transform_indices = @transform_7, window_bounds = array<i64: 8, 128>}]} {
    %get3A = arith.constant 0 : index
    %get3A_0 = arith.constant 0 : index
    %get3A_1 = vector.load %arg1[%get3A, %get3A_0] : memref<4096x32xf32, #tpu.memory_space<vmem>>, vector<4096x32xf32>
    %get3A_2 = arith.constant 0 : index
    %get3A_3 = arith.constant 0 : index
    %get3A_4 = vector.load %arg3[%get3A_2, %get3A_3] : memref<64x32xf32, #tpu.memory_space<vmem>>, vector<64x32xf32>
    %dot_general3A = arith.constant dense<0.000000e+00> : vector<4096x64xf32>
    %dot_general3A_5 = tpu.matmul %get3A_1, %get3A_4, %dot_general3A {dimension_numbers = #tpu.dot_dimension_numbers<[1], [1], [0], [0], [0, 0, 1, 0], [], []>, transpose_lhs_hint = false} : vector<4096x32xf32>, vector<64x32xf32>, vector<4096x64xf32> -> vector<4096x64xf32>
    %get3A_6 = arith.constant 0 : index
    %get3A_7 = arith.constant 0 : index
    %get3A_8 = vector.load %arg5[%get3A_6, %get3A_7] : memref<8x128xf32, #tpu.memory_space<vmem>>, vector<1x64xf32>
    %add3A = vector.broadcast %get3A_8 : vector<1x64xf32> to vector<4096x64xf32>
    %add3A_9 = arith.addf %dot_general3A_5, %add3A : vector<4096x64xf32>
    %get3A_10 = arith.constant 0 : index
    %get3A_11 = arith.constant 0 : index
    %get3A_12 = vector.load %arg2[%get3A_10, %get3A_11] : memref<4096x16xf32, #tpu.memory_space<vmem>>, vector<4096x16xf32>
    %get3A_13 = arith.constant 0 : index
    %get3A_14 = arith.constant 0 : index
    %get3A_15 = vector.load %arg4[%get3A_13, %get3A_14] : memref<32x16xf32, #tpu.memory_space<vmem>>, vector<32x16xf32>
    %dot_general3A_16 = arith.constant dense<0.000000e+00> : vector<4096x32xf32>
    %dot_general3A_17 = tpu.matmul %get3A_12, %get3A_15, %dot_general3A_16 {dimension_numbers = #tpu.dot_dimension_numbers<[1], [1], [0], [0], [0, 0, 1, 0], [], []>, transpose_lhs_hint = false} : vector<4096x16xf32>, vector<32x16xf32>, vector<4096x32xf32> -> vector<4096x32xf32>
    %get3A_18 = arith.constant 1 : index
    %get3A_19 = arith.constant 0 : index
    %get3A_20 = vector.load %arg5[%get3A_18, %get3A_19] : memref<8x128xf32, #tpu.memory_space<vmem>>, vector<1x32xf32>
    %add3A_21 = vector.broadcast %get3A_20 : vector<1x32xf32> to vector<4096x32xf32>
    %add3A_22 = arith.addf %dot_general3A_17, %add3A_21 : vector<4096x32xf32>
    %swap3A = arith.constant 0 : index
    %swap3A_23 = arith.constant 0 : index
    %swap3A_24 = vector.load %arg6[%swap3A, %swap3A_23] : memref<4096x64xf32, #tpu.memory_space<vmem>>, vector<4096x64xf32>
    tpu.vector_store %arg6[%swap3A, %swap3A_23], %add3A_9 {strides = array<i32>} : memref<4096x64xf32, #tpu.memory_space<vmem>>, vector<4096x64xf32>,
    %swap3A_25 = arith.constant 0 : index
    %swap3A_26 = arith.constant 0 : index
    %swap3A_27 = vector.load %arg7[%swap3A_25, %swap3A_26] : memref<4096x32xf32, #tpu.memory_space<vmem>>, vector<4096x32xf32>
    tpu.vector_store %arg7[%swap3A_25, %swap3A_26], %add3A_22 {strides = array<i32>} : memref<4096x32xf32, #tpu.memory_space<vmem>>, vector<4096x32xf32>,
    %broadcast_in_dim3A = arith.constant 0.000000e+00 : f32
    %broadcast_in_dim3A_28 = vector.broadcast %broadcast_in_dim3A : f32 to vector<1x64xf32>
    %broadcast_in_dim3A_29 = arith.constant 0.000000e+00 : f32
    %broadcast_in_dim3A_30 = vector.broadcast %broadcast_in_dim3A_29 : f32 to vector<1x96xf32>
    %reduce_sum3A = arith.constant dense<0.000000e+00> : vector<64xf32>
    %reduce_sum3A_31 = vector.multi_reduction <add>, %add3A_9, %reduce_sum3A [0] : vector<4096x64xf32> to vector<64xf32>
    %broadcast_in_dim3A_32 = vector.shape_cast %reduce_sum3A_31 : vector<64xf32> to vector<1x64xf32>
    %concatenate3A = tpu.concatenate %broadcast_in_dim3A_32, %broadcast_in_dim3A_28 in 1 : vector<1x64xf32>, vector<1x64xf32> -> vector<1x128xf32>
    %mul3A = arith.mulf %add3A_9, %add3A_9 : vector<4096x64xf32>
    %reduce_sum3A_33 = arith.constant dense<0.000000e+00> : vector<64xf32>
    %reduce_sum3A_34 = vector.multi_reduction <add>, %mul3A, %reduce_sum3A_33 [0] : vector<4096x64xf32> to vector<64xf32>
    %broadcast_in_dim3A_35 = vector.shape_cast %reduce_sum3A_34 : vector<64xf32> to vector<1x64xf32>
    %concatenate3A_36 = tpu.concatenate %broadcast_in_dim3A_35, %broadcast_in_dim3A_28 in 1 : vector<1x64xf32>, vector<1x64xf32> -> vector<1x128xf32>
    %reduce_sum3A_37 = arith.constant dense<0.000000e+00> : vector<32xf32>
    %reduce_sum3A_38 = vector.multi_reduction <add>, %add3A_22, %reduce_sum3A_37 [0] : vector<4096x32xf32> to vector<32xf32>
    %broadcast_in_dim3A_39 = vector.shape_cast %reduce_sum3A_38 : vector<32xf32> to vector<1x32xf32>
    %concatenate3A_40 = tpu.concatenate %broadcast_in_dim3A_39, %broadcast_in_dim3A_30 in 1 : vector<1x32xf32>, vector<1x96xf32> -> vector<1x128xf32>
    %mul3A_41 = arith.mulf %add3A_22, %add3A_22 : vector<4096x32xf32>
    %reduce_sum3A_42 = arith.constant dense<0.000000e+00> : vector<32xf32>
    %reduce_sum3A_43 = vector.multi_reduction <add>, %mul3A_41, %reduce_sum3A_42 [0] : vector<4096x32xf32> to vector<32xf32>
    %broadcast_in_dim3A_44 = vector.shape_cast %reduce_sum3A_43 : vector<32xf32> to vector<1x32xf32>
    %concatenate3A_45 = tpu.concatenate %broadcast_in_dim3A_44, %broadcast_in_dim3A_30 in 1 : vector<1x32xf32>, vector<1x96xf32> -> vector<1x128xf32>
    %broadcast_in_dim3A_46 = arith.constant 0.000000e+00 : f32
    %broadcast_in_dim3A_47 = vector.broadcast %broadcast_in_dim3A_46 : f32 to vector<4x128xf32>
    %concatenate3A_48 = tpu.concatenate %concatenate3A, %concatenate3A_36, %concatenate3A_40, %concatenate3A_45, %broadcast_in_dim3A_47 in 0 : vector<1x128xf32>, vector<1x128xf32>, vector<1x128xf32>, vector<1x128xf32>, vector<4x128xf32> -> vector<8x128xf32>
    %swap3A_49 = arith.constant 0 : index
    %swap3A_50 = arith.constant 0 : index
    %swap3A_51 = vector.load %arg8[%swap3A_49, %swap3A_50] : memref<8x128xf32, #tpu.memory_space<vmem>>, vector<8x128xf32>
    tpu.vector_store %arg8[%swap3A_49, %swap3A_50], %concatenate3A_48 {strides = array<i32>} : memref<8x128xf32, #tpu.memory_space<vmem>>, vector<8x128xf32>,
    return
  }
  func.func @transform_0(%arg0: i32) -> (i32, i32) {
    %c0_i32 = arith.constant 0 : i32
    %c0_i32_0 = arith.constant 0 : i32
    %c0_i32_1 = arith.constant 0 : i32
    return %c0_i32, %c0_i32_0 : i32, i32
  }
  func.func @transform_1(%arg0: i32) -> (i32, i32) {
    %c0_i32 = arith.constant 0 : i32
    %c0_i32_0 = arith.constant 0 : i32
    %c0_i32_1 = arith.constant 0 : i32
    return %c0_i32, %c0_i32_0 : i32, i32
  }
  func.func @transform_2(%arg0: i32) -> (i32, i32) {
    %c0_i32 = arith.constant 0 : i32
    %c0_i32_0 = arith.constant 0 : i32
    %c0_i32_1 = arith.constant 0 : i32
    return %c0_i32, %c0_i32_0 : i32, i32
  }
  func.func @transform_3(%arg0: i32) -> (i32, i32) {
    %c0_i32 = arith.constant 0 : i32
    %c0_i32_0 = arith.constant 0 : i32
    %c0_i32_1 = arith.constant 0 : i32
    return %c0_i32, %c0_i32_0 : i32, i32
  }
  func.func @transform_4(%arg0: i32) -> (i32, i32) {
    %c0_i32 = arith.constant 0 : i32
    %c0_i32_0 = arith.constant 0 : i32
    %c0_i32_1 = arith.constant 0 : i32
    return %c0_i32, %c0_i32_0 : i32, i32
  }
  func.func @transform_5(%arg0: i32) -> (i32, i32) {
    %c0_i32 = arith.constant 0 : i32
    %c0_i32_0 = arith.constant 0 : i32
    %c0_i32_1 = arith.constant 0 : i32
    return %c0_i32, %c0_i32_0 : i32, i32
  }
  func.func @transform_6(%arg0: i32) -> (i32, i32) {
    %c0_i32 = arith.constant 0 : i32
    %c0_i32_0 = arith.constant 0 : i32
    %c0_i32_1 = arith.constant 0 : i32
    return %c0_i32, %c0_i32_0 : i32, i32
  }
  func.func @transform_7(%arg0: i32) -> (i32, i32) {
    %c0_i32 = arith.constant 0 : i32
    %c0_i32_0 = arith.constant 0 : i32
    %c0_i32_1 = arith.constant 0 : i32
    return %c0_i32, %c0_i32_0 : i32, i32
  }
}

module attributes {stable_mosaic.version = 14 : i64} {
  func.func @_band_body(%arg0: i32, %arg1: memref<200x256xf32, #tpu.memory_space<vmem>>, %arg2: memref<4856x128xbf16, #tpu.memory_space<vmem>>, %arg3: memref<8x128xf32, #tpu.memory_space<vmem>>, %arg4: memref<200x128xbf16, #tpu.memory_space<vmem>>, %arg5: memref<8x128xf32, #tpu.memory_space<vmem>>, %arg6: memref<8x128xf32, #tpu.memory_space<vmem>>) attributes {dimension_semantics = [#tpu.dimension_semantics<arbitrary>], iteration_bounds = array<i64: 24>, scalar_prefetch = 0 : i64, scratch_operands = 0 : i64, tpu.core_type = #tpu.core_type<tc>, window_params = [{transform_indices = @transform_0, window_bounds = array<i64: 200, 256>}, {pipeline_mode = #tpu.pipeline_mode<synchronous>, transform_indices = @transform_1, window_bounds = array<i64: 4856, 128>}, {pipeline_mode = #tpu.pipeline_mode<synchronous>, transform_indices = @transform_2, window_bounds = array<i64: 8, 128>}, {transform_indices = @transform_3, window_bounds = array<i64: 200, 128>}, {transform_indices = @transform_4, window_bounds = array<i64: 8, 128>}, {pipeline_mode = #tpu.pipeline_mode<synchronous>, transform_indices = @transform_5, window_bounds = array<i64: 8, 128>}]} {
    %mul3A = arith.constant 200 : i32
    %mul3A_0 = arith.muli %arg0, %mul3A : i32
    %get3A = arith.index_cast %mul3A_0 : i32 to index
    %get3A_1 = arith.constant 0 : index
    %get3A_2 = vector.load %arg2[%get3A, %get3A_1] : memref<4856x128xbf16, #tpu.memory_space<vmem>>, vector<256x128xbf16>
    %convert_element_type3A = arith.extf %get3A_2 : vector<256x128xbf16> to vector<256x128xf32>
    %get3A_3 = arith.constant 0 : index
    %get3A_4 = arith.constant 0 : index
    %get3A_5 = vector.load %arg3[%get3A_3, %get3A_4] : memref<8x128xf32, #tpu.memory_space<vmem>>, vector<1x128xf32>
    %get3A_6 = arith.constant 1 : index
    %get3A_7 = arith.constant 0 : index
    %get3A_8 = vector.load %arg3[%get3A_6, %get3A_7] : memref<8x128xf32, #tpu.memory_space<vmem>>, vector<1x128xf32>
    %get3A_9 = arith.constant 2 : index
    %get3A_10 = arith.constant 0 : index
    %get3A_11 = vector.load %arg3[%get3A_9, %get3A_10] : memref<8x128xf32, #tpu.memory_space<vmem>>, vector<1x128xf32>
    %get3A_12 = vector.shape_cast %get3A_11 : vector<1x128xf32> to vector<128xf32>
    %dot_general3A = arith.constant dense<0.000000e+00> : vector<1x256xf32>
    %dot_general3A_13 = tpu.matmul %get3A_5, %convert_element_type3A, %dot_general3A {dimension_numbers = #tpu.dot_dimension_numbers<[1], [1], [0], [0], [0, 0, 1, 0], [], []>, transpose_lhs_hint = false} : vector<1x128xf32>, vector<256x128xf32>, vector<1x256xf32> -> vector<1x256xf32>
    %slice3A = vector.extract_strided_slice %convert_element_type3A {offsets = [24, 0], sizes = [200, 128], strides = [1, 1]} : vector<256x128xf32> to vector<200x128xf32>
    %dot_general3A_14 = arith.constant dense<0.000000e+00> : vector<200x1xf32>
    %dot_general3A_15 = tpu.matmul %slice3A, %get3A_8, %dot_general3A_14 {dimension_numbers = #tpu.dot_dimension_numbers<[1], [1], [0], [0], [0, 0, 1, 0], [], []>, transpose_lhs_hint = false} : vector<200x128xf32>, vector<1x128xf32>, vector<200x1xf32> -> vector<200x1xf32>
    %add3A = vector.broadcast %dot_general3A_13 : vector<1x256xf32> to vector<200x256xf32>
    %add3A_16 = vector.broadcast %dot_general3A_15 : vector<200x1xf32> to vector<200x256xf32>
    %add3A_17 = arith.addf %add3A, %add3A_16 : vector<200x256xf32>
    %ge3A = arith.constant 0.000000e+00 : f32
    %ge3A_18 = vector.broadcast %ge3A : f32 to vector<200x256xf32>
    %ge3A_19 = arith.cmpf oge, %add3A_17, %ge3A_18 : vector<200x256xf32>
    %mul3A_20 = arith.constant 2.000000e-01 : f32
    %mul3A_21 = vector.broadcast %mul3A_20 : f32 to vector<200x256xf32>
    %mul3A_22 = arith.mulf %mul3A_21, %add3A_17 : vector<200x256xf32>
    %select_n3A = arith.select %ge3A_19, %add3A_17, %mul3A_22 : vector<200x256xi1>, vector<200x256xf32>
    %get3A_23 = arith.constant 0 : index
    %get3A_24 = arith.constant 0 : index
    %get3A_25 = vector.load %arg1[%get3A_23, %get3A_24] : memref<200x256xf32, #tpu.memory_space<vmem>>, vector<200x256xf32>
    %iota3A = tpu.iota {dimensions = array<i32: 0>} : vector<200x256xi32>
    %iota3A_26 = tpu.iota {dimensions = array<i32: 1>} : vector<200x256xi32>
    %add3A_27 = arith.constant 24 : i32
    %add3A_28 = vector.broadcast %add3A_27 : i32 to vector<200x256xi32>
    %add3A_29 = arith.addi %iota3A, %add3A_28 : vector<200x256xi32>
    %eq3A = arith.cmpi eq, %iota3A_26, %add3A_29 : vector<200x256xi32>
    %jit3A = arith.constant 1.000000e+00 : f32
    %jit3A_30 = arith.constant 0.000000e+00 : f32
    %broadcast_in_dim3A = vector.broadcast %jit3A : f32 to vector<200x256xf32>
    %broadcast_in_dim3A_31 = vector.broadcast %jit3A_30 : f32 to vector<200x256xf32>
    %select_n3A_32 = arith.select %eq3A, %broadcast_in_dim3A, %broadcast_in_dim3A_31 : vector<200x256xi1>, vector<200x256xf32>
    %add3A_33 = arith.addf %get3A_25, %select_n3A_32 : vector<200x256xf32>
    %gt3A = arith.constant 0.000000e+00 : f32
    %gt3A_34 = vector.broadcast %gt3A : f32 to vector<200x256xf32>
    %gt3A_35 = arith.cmpf ogt, %add3A_33, %gt3A_34 : vector<200x256xf32>
    %jit3A_36 = arith.constant -1.000000e+30 : f32
    %broadcast_in_dim3A_37 = vector.broadcast %jit3A_36 : f32 to vector<200x256xf32>
    %select_n3A_38 = arith.select %gt3A_35, %select_n3A, %broadcast_in_dim3A_37 : vector<200x256xi1>, vector<200x256xf32>
    %reduce_max3A = arith.constant dense<0xFF800000> : vector<200xf32>
    %reduce_max3A_39 = vector.multi_reduction <maximumf>, %select_n3A_38, %reduce_max3A [1] : vector<200x256xf32> to vector<200xf32>
    %broadcast_in_dim3A_40 = vector.shape_cast %reduce_max3A_39 : vector<200xf32> to vector<200x1xf32>
    %sub3A = vector.broadcast %broadcast_in_dim3A_40 : vector<200x1xf32> to vector<200x256xf32>
    %sub3A_41 = arith.subf %select_n3A, %sub3A : vector<200x256xf32>
    %exp3A = math.exp %sub3A_41 : vector<200x256xf32>
    %mul3A_42 = arith.mulf %add3A_33, %exp3A : vector<200x256xf32>
    %reduce_sum3A = arith.constant dense<0.000000e+00> : vector<200xf32>
    %reduce_sum3A_43 = vector.multi_reduction <add>, %mul3A_42, %reduce_sum3A [1] : vector<200x256xf32> to vector<200xf32>
    %broadcast_in_dim3A_44 = vector.shape_cast %reduce_sum3A_43 : vector<200xf32> to vector<200x1xf32>
    %dot_general3A_45 = arith.constant dense<0.000000e+00> : vector<200x128xf32>
    %dot_general3A_46 = tpu.matmul %mul3A_42, %convert_element_type3A, %dot_general3A_45 {dimension_numbers = #tpu.dot_dimension_numbers<[1], [0], [0], [1], [0, 0, 1, 1], [], []>, transpose_lhs_hint = false} : vector<200x256xf32>, vector<256x128xf32>, vector<200x128xf32> -> vector<200x128xf32>
    %add3A_47 = arith.constant 1.000000e-16 : f32
    %add3A_48 = vector.broadcast %add3A_47 : f32 to vector<200x1xf32>
    %add3A_49 = arith.addf %broadcast_in_dim3A_44, %add3A_48 : vector<200x1xf32>
    %div3A = arith.constant 1.000000e+00 : f32
    %div3A_50 = vector.broadcast %div3A : f32 to vector<200x1xf32>
    %div3A_51 = arith.divf %div3A_50, %add3A_49 : vector<200x1xf32>
    %mul3A_52 = vector.broadcast %div3A_51 : vector<200x1xf32> to vector<200x128xf32>
    %mul3A_53 = arith.mulf %dot_general3A_46, %mul3A_52 : vector<200x128xf32>
    %convert_element_type3A_54 = arith.truncf %mul3A_53 : vector<200x128xf32> to vector<200x128xbf16>
    %swap3A = arith.constant 0 : index
    %swap3A_55 = arith.constant 0 : index
    %swap3A_56 = vector.load %arg4[%swap3A, %swap3A_55] : memref<200x128xbf16, #tpu.memory_space<vmem>>, vector<200x128xbf16>
    tpu.vector_store %arg4[%swap3A, %swap3A_55], %convert_element_type3A_54 {strides = array<i32>} : memref<200x128xbf16, #tpu.memory_space<vmem>>, vector<200x128xbf16>,
    %slice3A_57 = vector.extract_strided_slice %mul3A_53 {offsets = [12, 0], sizes = [1, 128], strides = [1, 1]} : vector<200x128xf32> to vector<1x128xf32>
    %slice3A_58 = vector.extract_strided_slice %mul3A_53 {offsets = [37, 0], sizes = [1, 128], strides = [1, 1]} : vector<200x128xf32> to vector<1x128xf32>
    %slice3A_59 = vector.extract_strided_slice %mul3A_53 {offsets = [62, 0], sizes = [1, 128], strides = [1, 1]} : vector<200x128xf32> to vector<1x128xf32>
    %slice3A_60 = vector.extract_strided_slice %mul3A_53 {offsets = [87, 0], sizes = [1, 128], strides = [1, 1]} : vector<200x128xf32> to vector<1x128xf32>
    %slice3A_61 = vector.extract_strided_slice %mul3A_53 {offsets = [112, 0], sizes = [1, 128], strides = [1, 1]} : vector<200x128xf32> to vector<1x128xf32>
    %slice3A_62 = vector.extract_strided_slice %mul3A_53 {offsets = [137, 0], sizes = [1, 128], strides = [1, 1]} : vector<200x128xf32> to vector<1x128xf32>
    %slice3A_63 = vector.extract_strided_slice %mul3A_53 {offsets = [162, 0], sizes = [1, 128], strides = [1, 1]} : vector<200x128xf32> to vector<1x128xf32>
    %slice3A_64 = vector.extract_strided_slice %mul3A_53 {offsets = [187, 0], sizes = [1, 128], strides = [1, 1]} : vector<200x128xf32> to vector<1x128xf32>
    %concatenate3A = tpu.concatenate %slice3A_57, %slice3A_58, %slice3A_59, %slice3A_60, %slice3A_61, %slice3A_62, %slice3A_63, %slice3A_64 in 0 : vector<1x128xf32>, vector<1x128xf32>, vector<1x128xf32>, vector<1x128xf32>, vector<1x128xf32>, vector<1x128xf32>, vector<1x128xf32>, vector<1x128xf32> -> vector<8x128xf32>
    %swap3A_65 = arith.constant 0 : index
    %swap3A_66 = arith.constant 0 : index
    %swap3A_67 = vector.load %arg5[%swap3A_65, %swap3A_66] : memref<8x128xf32, #tpu.memory_space<vmem>>, vector<8x128xf32>
    tpu.vector_store %arg5[%swap3A_65, %swap3A_66], %concatenate3A {strides = array<i32>} : memref<8x128xf32, #tpu.memory_space<vmem>>, vector<8x128xf32>,
    %broadcast_in_dim3A_68 = vector.shape_cast %get3A_12 : vector<128xf32> to vector<1x128xf32>
    %add3A_69 = vector.broadcast %broadcast_in_dim3A_68 : vector<1x128xf32> to vector<200x128xf32>
    %add3A_70 = arith.addf %mul3A_53, %add3A_69 : vector<200x128xf32>
    %broadcast_in_dim3A_71 = vector.shape_cast %get3A_12 : vector<128xf32> to vector<1x128xf32>
    %add3A_72 = vector.broadcast %broadcast_in_dim3A_71 : vector<1x128xf32> to vector<200x128xf32>
    %add3A_73 = arith.addf %slice3A, %add3A_72 : vector<200x128xf32>
    %eq3A_74 = arith.constant 0 : i32
    %eq3A_75 = arith.cmpi eq, %arg0, %eq3A_74 : i32
    %convert_element_type3A_76 = arith.extui %eq3A_75 : i1 to i32
    %cond3A = arith.constant 0 : i32
    %cond3A_77 = arith.cmpi ne, %convert_element_type3A_76, %cond3A : i32
    scf.if %cond3A_77 {
      %broadcast_in_dim3A_108 = arith.constant 0.000000e+00 : f32
      %broadcast_in_dim3A_109 = vector.broadcast %broadcast_in_dim3A_108 : f32 to vector<8x128xf32>
      %swap3A_110 = arith.constant 0 : index
      %swap3A_111 = arith.constant 0 : index
      %swap3A_112 = vector.load %arg6[%swap3A_110, %swap3A_111] : memref<8x128xf32, #tpu.memory_space<vmem>>, vector<8x128xf32>
      tpu.vector_store %arg6[%swap3A_110, %swap3A_111], %broadcast_in_dim3A_109 {strides = array<i32>} : memref<8x128xf32, #tpu.memory_space<vmem>>, vector<8x128xf32>,
    } else {
    }
    %get3A_78 = arith.constant 0 : index
    %get3A_79 = arith.constant 0 : index
    %get3A_80 = vector.load %arg6[%get3A_78, %get3A_79] : memref<8x128xf32, #tpu.memory_space<vmem>>, vector<1x128xf32>
    %reduce_sum3A_81 = arith.constant dense<0.000000e+00> : vector<128xf32>
    %reduce_sum3A_82 = vector.multi_reduction <add>, %add3A_70, %reduce_sum3A_81 [0] : vector<200x128xf32> to vector<128xf32>
    %broadcast_in_dim3A_83 = vector.shape_cast %reduce_sum3A_82 : vector<128xf32> to vector<1x128xf32>
    %reduce_sum3A_84 = arith.constant dense<0.000000e+00> : vector<128xf32>
    %reduce_sum3A_85 = vector.multi_reduction <add>, %add3A_73, %reduce_sum3A_84 [0] : vector<200x128xf32> to vector<128xf32>
    %broadcast_in_dim3A_86 = vector.shape_cast %reduce_sum3A_85 : vector<128xf32> to vector<1x128xf32>
    %sub3A_87 = arith.subf %broadcast_in_dim3A_83, %broadcast_in_dim3A_86 : vector<1x128xf32>
    %add3A_88 = arith.addf %get3A_80, %sub3A_87 : vector<1x128xf32>
    %swap3A_89 = arith.constant 0 : index
    %swap3A_90 = arith.constant 0 : index
    %swap3A_91 = vector.load %arg6[%swap3A_89, %swap3A_90] : memref<8x128xf32, #tpu.memory_space<vmem>>, vector<1x128xf32>
    tpu.vector_store %arg6[%swap3A_89, %swap3A_90], %add3A_88 {strides = array<i32>} : memref<8x128xf32, #tpu.memory_space<vmem>>, vector<1x128xf32>,
    %get3A_92 = arith.constant 1 : index
    %get3A_93 = arith.constant 0 : index
    %get3A_94 = vector.load %arg6[%get3A_92, %get3A_93] : memref<8x128xf32, #tpu.memory_space<vmem>>, vector<1x128xf32>
    %mul3A_95 = arith.mulf %add3A_70, %add3A_70 : vector<200x128xf32>
    %reduce_sum3A_96 = arith.constant dense<0.000000e+00> : vector<128xf32>
    %reduce_sum3A_97 = vector.multi_reduction <add>, %mul3A_95, %reduce_sum3A_96 [0] : vector<200x128xf32> to vector<128xf32>
    %broadcast_in_dim3A_98 = vector.shape_cast %reduce_sum3A_97 : vector<128xf32> to vector<1x128xf32>
    %mul3A_99 = arith.mulf %add3A_73, %add3A_73 : vector<200x128xf32>
    %reduce_sum3A_100 = arith.constant dense<0.000000e+00> : vector<128xf32>
    %reduce_sum3A_101 = vector.multi_reduction <add>, %mul3A_99, %reduce_sum3A_100 [0] : vector<200x128xf32> to vector<128xf32>
    %broadcast_in_dim3A_102 = vector.shape_cast %reduce_sum3A_101 : vector<128xf32> to vector<1x128xf32>
    %sub3A_103 = arith.subf %broadcast_in_dim3A_98, %broadcast_in_dim3A_102 : vector<1x128xf32>
    %add3A_104 = arith.addf %get3A_94, %sub3A_103 : vector<1x128xf32>
    %swap3A_105 = arith.constant 1 : index
    %swap3A_106 = arith.constant 0 : index
    %swap3A_107 = vector.load %arg6[%swap3A_105, %swap3A_106] : memref<8x128xf32, #tpu.memory_space<vmem>>, vector<1x128xf32>
    tpu.vector_store %arg6[%swap3A_105, %swap3A_106], %add3A_104 {strides = array<i32>} : memref<8x128xf32, #tpu.memory_space<vmem>>, vector<1x128xf32>,
    return
  }
  func.func @transform_0(%arg0: i32) -> (i32, i32) {
    %c0_i32 = arith.constant 0 : i32
    %c0_i32_0 = arith.constant 0 : i32
    return %arg0, %c0_i32 : i32, i32
  }
  func.func @transform_1(%arg0: i32) -> (i32, i32) {
    %c0_i32 = arith.constant 0 : i32
    %c0_i32_0 = arith.constant 0 : i32
    %c0_i32_1 = arith.constant 0 : i32
    return %c0_i32, %c0_i32_0 : i32, i32
  }
  func.func @transform_2(%arg0: i32) -> (i32, i32) {
    %c0_i32 = arith.constant 0 : i32
    %c0_i32_0 = arith.constant 0 : i32
    %c0_i32_1 = arith.constant 0 : i32
    return %c0_i32, %c0_i32_0 : i32, i32
  }
  func.func @transform_3(%arg0: i32) -> (i32, i32) {
    %c0_i32 = arith.constant 0 : i32
    %c0_i32_0 = arith.constant 0 : i32
    return %arg0, %c0_i32 : i32, i32
  }
  func.func @transform_4(%arg0: i32) -> (i32, i32) {
    %c0_i32 = arith.constant 0 : i32
    %c0_i32_0 = arith.constant 0 : i32
    return %arg0, %c0_i32 : i32, i32
  }
  func.func @transform_5(%arg0: i32) -> (i32, i32) {
    %c0_i32 = arith.constant 0 : i32
    %c0_i32_0 = arith.constant 0 : i32
    %c0_i32_1 = arith.constant 0 : i32
    return %c0_i32, %c0_i32_0 : i32, i32
  }
}

module attributes {stable_mosaic.version = 14 : i64} {
  func.func @_pass_body(%arg0: i32, %arg1: memref<1600x128xbf16, #tpu.memory_space<vmem>>, %arg2: memref<1600x128xbf16, #tpu.memory_space<vmem>>, %arg3: memref<128x128xf32, #tpu.memory_space<vmem>>, %arg4: memref<8x128xf32, #tpu.memory_space<vmem>>, %arg5: memref<1600x128xbf16, #tpu.memory_space<vmem>>, %arg6: memref<8x128xf32, #tpu.memory_space<vmem>>, %arg7: memref<64x128xf32, #tpu.memory_space<vmem>>) attributes {dimension_semantics = [#tpu.dimension_semantics<arbitrary>], iteration_bounds = array<i64: 64>, scalar_prefetch = 0 : i64, scratch_operands = 0 : i64, tpu.core_type = #tpu.core_type<tc>, window_params = [{transform_indices = @transform_0, window_bounds = array<i64: 1600, 128>}, {transform_indices = @transform_1, window_bounds = array<i64: 1600, 128>}, {pipeline_mode = #tpu.pipeline_mode<synchronous>, transform_indices = @transform_2, window_bounds = array<i64: 128, 128>}, {pipeline_mode = #tpu.pipeline_mode<synchronous>, transform_indices = @transform_3, window_bounds = array<i64: 8, 128>}, {transform_indices = @transform_4, window_bounds = array<i64: 1600, 128>}, {pipeline_mode = #tpu.pipeline_mode<synchronous>, transform_indices = @transform_5, window_bounds = array<i64: 8, 128>}, {transform_indices = @transform_6, window_bounds = array<i64: 64, 128>}]} {
    %lt3A = arith.constant 3 : i32
    %lt3A_0 = arith.cmpi slt, %arg0, %lt3A : i32
    %get3A = arith.constant 0 : index
    %get3A_1 = arith.constant 0 : index
    %get3A_2 = vector.load %arg2[%get3A, %get3A_1] : memref<1600x128xbf16, #tpu.memory_space<vmem>>, vector<1600x128xbf16>
    %get3A_3 = arith.constant 0 : index
    %get3A_4 = arith.constant 0 : index
    %get3A_5 = vector.load %arg1[%get3A_3, %get3A_4] : memref<1600x128xbf16, #tpu.memory_space<vmem>>, vector<1600x128xbf16>
    %select_n3A = arith.select %lt3A_0, %get3A_2, %get3A_5 : vector<1600x128xbf16>
    %convert_element_type3A = arith.extf %select_n3A : vector<1600x128xbf16> to vector<1600x128xf32>
    %get3A_6 = arith.constant 0 : index
    %get3A_7 = arith.constant 0 : index
    %get3A_8 = vector.load %arg4[%get3A_6, %get3A_7] : memref<8x128xf32, #tpu.memory_space<vmem>>, vector<1x128xf32>
    %get3A_9 = vector.shape_cast %get3A_8 : vector<1x128xf32> to vector<128xf32>
    %get3A_10 = arith.constant 1 : index
    %get3A_11 = arith.constant 0 : index
    %get3A_12 = vector.load %arg4[%get3A_10, %get3A_11] : memref<8x128xf32, #tpu.memory_space<vmem>>, vector<1x128xf32>
    %get3A_13 = vector.shape_cast %get3A_12 : vector<1x128xf32> to vector<128xf32>
    %get3A_14 = arith.constant 2 : index
    %get3A_15 = arith.constant 0 : index
    %get3A_16 = vector.load %arg4[%get3A_14, %get3A_15] : memref<8x128xf32, #tpu.memory_space<vmem>>, vector<1x128xf32>
    %get3A_17 = vector.shape_cast %get3A_16 : vector<1x128xf32> to vector<128xf32>
    %get3A_18 = arith.constant 3 : index
    %get3A_19 = arith.constant 0 : index
    %get3A_20 = vector.load %arg4[%get3A_18, %get3A_19] : memref<8x128xf32, #tpu.memory_space<vmem>>, vector<1x128xf32>
    %get3A_21 = vector.shape_cast %get3A_20 : vector<1x128xf32> to vector<128xf32>
    %broadcast_in_dim3A = vector.shape_cast %get3A_9 : vector<128xf32> to vector<1x128xf32>
    %mul3A = vector.broadcast %broadcast_in_dim3A : vector<1x128xf32> to vector<1600x128xf32>
    %mul3A_22 = arith.mulf %convert_element_type3A, %mul3A : vector<1600x128xf32>
    %broadcast_in_dim3A_23 = vector.shape_cast %get3A_13 : vector<128xf32> to vector<1x128xf32>
    %add3A = vector.broadcast %broadcast_in_dim3A_23 : vector<1x128xf32> to vector<1600x128xf32>
    %add3A_24 = arith.addf %mul3A_22, %add3A : vector<1600x128xf32>
    %ge3A = arith.constant 0.000000e+00 : f32
    %ge3A_25 = vector.broadcast %ge3A : f32 to vector<1600x128xf32>
    %ge3A_26 = arith.cmpf oge, %add3A_24, %ge3A_25 : vector<1600x128xf32>
    %broadcast_in_dim3A_27 = vector.shape_cast %get3A_17 : vector<128xf32> to vector<1x128xf32>
    %mul3A_28 = vector.broadcast %broadcast_in_dim3A_27 : vector<1x128xf32> to vector<1600x128xf32>
    %mul3A_29 = arith.mulf %mul3A_28, %add3A_24 : vector<1600x128xf32>
    %select_n3A_30 = arith.select %ge3A_26, %add3A_24, %mul3A_29 : vector<1600x128xi1>, vector<1600x128xf32>
    %get3A_31 = arith.constant 0 : index
    %get3A_32 = arith.constant 0 : index
    %get3A_33 = vector.load %arg3[%get3A_31, %get3A_32] : memref<128x128xf32, #tpu.memory_space<vmem>>, vector<128x128xf32>
    %dot_general3A = arith.constant dense<0.000000e+00> : vector<1600x128xf32>
    %dot_general3A_34 = tpu.matmul %select_n3A_30, %get3A_33, %dot_general3A {dimension_numbers = #tpu.dot_dimension_numbers<[1], [1], [0], [0], [0, 0, 1, 0], [], []>, transpose_lhs_hint = false} : vector<1600x128xf32>, vector<128x128xf32>, vector<1600x128xf32> -> vector<1600x128xf32>
    %convert_element_type3A_35 = arith.truncf %dot_general3A_34 : vector<1600x128xf32> to vector<1600x128xbf16>
    %swap3A = arith.constant 0 : index
    %swap3A_36 = arith.constant 0 : index
    %swap3A_37 = vector.load %arg5[%swap3A, %swap3A_36] : memref<1600x128xbf16, #tpu.memory_space<vmem>>, vector<1600x128xbf16>
    tpu.vector_store %arg5[%swap3A, %swap3A_36], %convert_element_type3A_35 {strides = array<i32>} : memref<1600x128xbf16, #tpu.memory_space<vmem>>, vector<1600x128xbf16>,
    %broadcast_in_dim3A_38 = vector.shape_cast %get3A_21 : vector<128xf32> to vector<1x128xf32>
    %add3A_39 = vector.broadcast %broadcast_in_dim3A_38 : vector<1x128xf32> to vector<1600x128xf32>
    %add3A_40 = arith.addf %dot_general3A_34, %add3A_39 : vector<1600x128xf32>
    %eq3A = arith.constant 0 : i32
    %eq3A_41 = arith.cmpi eq, %arg0, %eq3A : i32
    %convert_element_type3A_42 = arith.extui %eq3A_41 : i1 to i32
    %cond3A = arith.constant 0 : i32
    %cond3A_43 = arith.cmpi ne, %convert_element_type3A_42, %cond3A : i32
    scf.if %cond3A_43 {
      %broadcast_in_dim3A_130 = arith.constant 0.000000e+00 : f32
      %broadcast_in_dim3A_131 = vector.broadcast %broadcast_in_dim3A_130 : f32 to vector<8x128xf32>
      %swap3A_132 = arith.constant 0 : index
      %swap3A_133 = arith.constant 0 : index
      %swap3A_134 = vector.load %arg6[%swap3A_132, %swap3A_133] : memref<8x128xf32, #tpu.memory_space<vmem>>, vector<8x128xf32>
      tpu.vector_store %arg6[%swap3A_132, %swap3A_133], %broadcast_in_dim3A_131 {strides = array<i32>} : memref<8x128xf32, #tpu.memory_space<vmem>>, vector<8x128xf32>,
    } else {
    }
    %get3A_44 = arith.constant 0 : index
    %get3A_45 = arith.constant 0 : index
    %get3A_46 = vector.load %arg6[%get3A_44, %get3A_45] : memref<8x128xf32, #tpu.memory_space<vmem>>, vector<1x128xf32>
    %reduce_sum3A = arith.constant dense<0.000000e+00> : vector<128xf32>
    %reduce_sum3A_47 = vector.multi_reduction <add>, %add3A_40, %reduce_sum3A [0] : vector<1600x128xf32> to vector<128xf32>
    %broadcast_in_dim3A_48 = vector.shape_cast %reduce_sum3A_47 : vector<128xf32> to vector<1x128xf32>
    %add3A_49 = arith.addf %get3A_46, %broadcast_in_dim3A_48 : vector<1x128xf32>
    %swap3A_50 = arith.constant 0 : index
    %swap3A_51 = arith.constant 0 : index
    %swap3A_52 = vector.load %arg6[%swap3A_50, %swap3A_51] : memref<8x128xf32, #tpu.memory_space<vmem>>, vector<1x128xf32>
    tpu.vector_store %arg6[%swap3A_50, %swap3A_51], %add3A_49 {strides = array<i32>} : memref<8x128xf32, #tpu.memory_space<vmem>>, vector<1x128xf32>,
    %get3A_53 = arith.constant 1 : index
    %get3A_54 = arith.constant 0 : index
    %get3A_55 = vector.load %arg6[%get3A_53, %get3A_54] : memref<8x128xf32, #tpu.memory_space<vmem>>, vector<1x128xf32>
    %mul3A_56 = arith.mulf %add3A_40, %add3A_40 : vector<1600x128xf32>
    %reduce_sum3A_57 = arith.constant dense<0.000000e+00> : vector<128xf32>
    %reduce_sum3A_58 = vector.multi_reduction <add>, %mul3A_56, %reduce_sum3A_57 [0] : vector<1600x128xf32> to vector<128xf32>
    %broadcast_in_dim3A_59 = vector.shape_cast %reduce_sum3A_58 : vector<128xf32> to vector<1x128xf32>
    %add3A_60 = arith.addf %get3A_55, %broadcast_in_dim3A_59 : vector<1x128xf32>
    %swap3A_61 = arith.constant 1 : index
    %swap3A_62 = arith.constant 0 : index
    %swap3A_63 = vector.load %arg6[%swap3A_61, %swap3A_62] : memref<8x128xf32, #tpu.memory_space<vmem>>, vector<1x128xf32>
    tpu.vector_store %arg6[%swap3A_61, %swap3A_62], %add3A_60 {strides = array<i32>} : memref<8x128xf32, #tpu.memory_space<vmem>>, vector<1x128xf32>,
    %slice3A = vector.extract_strided_slice %dot_general3A_34 {offsets = [12, 0], sizes = [1, 128], strides = [1, 1]} : vector<1600x128xf32> to vector<1x128xf32>
    %slice3A_64 = vector.extract_strided_slice %dot_general3A_34 {offsets = [37, 0], sizes = [1, 128], strides = [1, 1]} : vector<1600x128xf32> to vector<1x128xf32>
    %slice3A_65 = vector.extract_strided_slice %dot_general3A_34 {offsets = [62, 0], sizes = [1, 128], strides = [1, 1]} : vector<1600x128xf32> to vector<1x128xf32>
    %slice3A_66 = vector.extract_strided_slice %dot_general3A_34 {offsets = [87, 0], sizes = [1, 128], strides = [1, 1]} : vector<1600x128xf32> to vector<1x128xf32>
    %slice3A_67 = vector.extract_strided_slice %dot_general3A_34 {offsets = [112, 0], sizes = [1, 128], strides = [1, 1]} : vector<1600x128xf32> to vector<1x128xf32>
    %slice3A_68 = vector.extract_strided_slice %dot_general3A_34 {offsets = [137, 0], sizes = [1, 128], strides = [1, 1]} : vector<1600x128xf32> to vector<1x128xf32>
    %slice3A_69 = vector.extract_strided_slice %dot_general3A_34 {offsets = [162, 0], sizes = [1, 128], strides = [1, 1]} : vector<1600x128xf32> to vector<1x128xf32>
    %slice3A_70 = vector.extract_strided_slice %dot_general3A_34 {offsets = [187, 0], sizes = [1, 128], strides = [1, 1]} : vector<1600x128xf32> to vector<1x128xf32>
    %slice3A_71 = vector.extract_strided_slice %dot_general3A_34 {offsets = [212, 0], sizes = [1, 128], strides = [1, 1]} : vector<1600x128xf32> to vector<1x128xf32>
    %slice3A_72 = vector.extract_strided_slice %dot_general3A_34 {offsets = [237, 0], sizes = [1, 128], strides = [1, 1]} : vector<1600x128xf32> to vector<1x128xf32>
    %slice3A_73 = vector.extract_strided_slice %dot_general3A_34 {offsets = [262, 0], sizes = [1, 128], strides = [1, 1]} : vector<1600x128xf32> to vector<1x128xf32>
    %slice3A_74 = vector.extract_strided_slice %dot_general3A_34 {offsets = [287, 0], sizes = [1, 128], strides = [1, 1]} : vector<1600x128xf32> to vector<1x128xf32>
    %slice3A_75 = vector.extract_strided_slice %dot_general3A_34 {offsets = [312, 0], sizes = [1, 128], strides = [1, 1]} : vector<1600x128xf32> to vector<1x128xf32>
    %slice3A_76 = vector.extract_strided_slice %dot_general3A_34 {offsets = [337, 0], sizes = [1, 128], strides = [1, 1]} : vector<1600x128xf32> to vector<1x128xf32>
    %slice3A_77 = vector.extract_strided_slice %dot_general3A_34 {offsets = [362, 0], sizes = [1, 128], strides = [1, 1]} : vector<1600x128xf32> to vector<1x128xf32>
    %slice3A_78 = vector.extract_strided_slice %dot_general3A_34 {offsets = [387, 0], sizes = [1, 128], strides = [1, 1]} : vector<1600x128xf32> to vector<1x128xf32>
    %slice3A_79 = vector.extract_strided_slice %dot_general3A_34 {offsets = [412, 0], sizes = [1, 128], strides = [1, 1]} : vector<1600x128xf32> to vector<1x128xf32>
    %slice3A_80 = vector.extract_strided_slice %dot_general3A_34 {offsets = [437, 0], sizes = [1, 128], strides = [1, 1]} : vector<1600x128xf32> to vector<1x128xf32>
    %slice3A_81 = vector.extract_strided_slice %dot_general3A_34 {offsets = [462, 0], sizes = [1, 128], strides = [1, 1]} : vector<1600x128xf32> to vector<1x128xf32>
    %slice3A_82 = vector.extract_strided_slice %dot_general3A_34 {offsets = [487, 0], sizes = [1, 128], strides = [1, 1]} : vector<1600x128xf32> to vector<1x128xf32>
    %slice3A_83 = vector.extract_strided_slice %dot_general3A_34 {offsets = [512, 0], sizes = [1, 128], strides = [1, 1]} : vector<1600x128xf32> to vector<1x128xf32>
    %slice3A_84 = vector.extract_strided_slice %dot_general3A_34 {offsets = [537, 0], sizes = [1, 128], strides = [1, 1]} : vector<1600x128xf32> to vector<1x128xf32>
    %slice3A_85 = vector.extract_strided_slice %dot_general3A_34 {offsets = [562, 0], sizes = [1, 128], strides = [1, 1]} : vector<1600x128xf32> to vector<1x128xf32>
    %slice3A_86 = vector.extract_strided_slice %dot_general3A_34 {offsets = [587, 0], sizes = [1, 128], strides = [1, 1]} : vector<1600x128xf32> to vector<1x128xf32>
    %slice3A_87 = vector.extract_strided_slice %dot_general3A_34 {offsets = [612, 0], sizes = [1, 128], strides = [1, 1]} : vector<1600x128xf32> to vector<1x128xf32>
    %slice3A_88 = vector.extract_strided_slice %dot_general3A_34 {offsets = [637, 0], sizes = [1, 128], strides = [1, 1]} : vector<1600x128xf32> to vector<1x128xf32>
    %slice3A_89 = vector.extract_strided_slice %dot_general3A_34 {offsets = [662, 0], sizes = [1, 128], strides = [1, 1]} : vector<1600x128xf32> to vector<1x128xf32>
    %slice3A_90 = vector.extract_strided_slice %dot_general3A_34 {offsets = [687, 0], sizes = [1, 128], strides = [1, 1]} : vector<1600x128xf32> to vector<1x128xf32>
    %slice3A_91 = vector.extract_strided_slice %dot_general3A_34 {offsets = [712, 0], sizes = [1, 128], strides = [1, 1]} : vector<1600x128xf32> to vector<1x128xf32>
    %slice3A_92 = vector.extract_strided_slice %dot_general3A_34 {offsets = [737, 0], sizes = [1, 128], strides = [1, 1]} : vector<1600x128xf32> to vector<1x128xf32>
    %slice3A_93 = vector.extract_strided_slice %dot_general3A_34 {offsets = [762, 0], sizes = [1, 128], strides = [1, 1]} : vector<1600x128xf32> to vector<1x128xf32>
    %slice3A_94 = vector.extract_strided_slice %dot_general3A_34 {offsets = [787, 0], sizes = [1, 128], strides = [1, 1]} : vector<1600x128xf32> to vector<1x128xf32>
    %slice3A_95 = vector.extract_strided_slice %dot_general3A_34 {offsets = [812, 0], sizes = [1, 128], strides = [1, 1]} : vector<1600x128xf32> to vector<1x128xf32>
    %slice3A_96 = vector.extract_strided_slice %dot_general3A_34 {offsets = [837, 0], sizes = [1, 128], strides = [1, 1]} : vector<1600x128xf32> to vector<1x128xf32>
    %slice3A_97 = vector.extract_strided_slice %dot_general3A_34 {offsets = [862, 0], sizes = [1, 128], strides = [1, 1]} : vector<1600x128xf32> to vector<1x128xf32>
    %slice3A_98 = vector.extract_strided_slice %dot_general3A_34 {offsets = [887, 0], sizes = [1, 128], strides = [1, 1]} : vector<1600x128xf32> to vector<1x128xf32>
    %slice3A_99 = vector.extract_strided_slice %dot_general3A_34 {offsets = [912, 0], sizes = [1, 128], strides = [1, 1]} : vector<1600x128xf32> to vector<1x128xf32>
    %slice3A_100 = vector.extract_strided_slice %dot_general3A_34 {offsets = [937, 0], sizes = [1, 128], strides = [1, 1]} : vector<1600x128xf32> to vector<1x128xf32>
    %slice3A_101 = vector.extract_strided_slice %dot_general3A_34 {offsets = [962, 0], sizes = [1, 128], strides = [1, 1]} : vector<1600x128xf32> to vector<1x128xf32>
    %slice3A_102 = vector.extract_strided_slice %dot_general3A_34 {offsets = [987, 0], sizes = [1, 128], strides = [1, 1]} : vector<1600x128xf32> to vector<1x128xf32>
    %slice3A_103 = vector.extract_strided_slice %dot_general3A_34 {offsets = [1012, 0], sizes = [1, 128], strides = [1, 1]} : vector<1600x128xf32> to vector<1x128xf32>
    %slice3A_104 = vector.extract_strided_slice %dot_general3A_34 {offsets = [1037, 0], sizes = [1, 128], strides = [1, 1]} : vector<1600x128xf32> to vector<1x128xf32>
    %slice3A_105 = vector.extract_strided_slice %dot_general3A_34 {offsets = [1062, 0], sizes = [1, 128], strides = [1, 1]} : vector<1600x128xf32> to vector<1x128xf32>
    %slice3A_106 = vector.extract_strided_slice %dot_general3A_34 {offsets = [1087, 0], sizes = [1, 128], strides = [1, 1]} : vector<1600x128xf32> to vector<1x128xf32>
    %slice3A_107 = vector.extract_strided_slice %dot_general3A_34 {offsets = [1112, 0], sizes = [1, 128], strides = [1, 1]} : vector<1600x128xf32> to vector<1x128xf32>
    %slice3A_108 = vector.extract_strided_slice %dot_general3A_34 {offsets = [1137, 0], sizes = [1, 128], strides = [1, 1]} : vector<1600x128xf32> to vector<1x128xf32>
    %slice3A_109 = vector.extract_strided_slice %dot_general3A_34 {offsets = [1162, 0], sizes = [1, 128], strides = [1, 1]} : vector<1600x128xf32> to vector<1x128xf32>
    %slice3A_110 = vector.extract_strided_slice %dot_general3A_34 {offsets = [1187, 0], sizes = [1, 128], strides = [1, 1]} : vector<1600x128xf32> to vector<1x128xf32>
    %slice3A_111 = vector.extract_strided_slice %dot_general3A_34 {offsets = [1212, 0], sizes = [1, 128], strides = [1, 1]} : vector<1600x128xf32> to vector<1x128xf32>
    %slice3A_112 = vector.extract_strided_slice %dot_general3A_34 {offsets = [1237, 0], sizes = [1, 128], strides = [1, 1]} : vector<1600x128xf32> to vector<1x128xf32>
    %slice3A_113 = vector.extract_strided_slice %dot_general3A_34 {offsets = [1262, 0], sizes = [1, 128], strides = [1, 1]} : vector<1600x128xf32> to vector<1x128xf32>
    %slice3A_114 = vector.extract_strided_slice %dot_general3A_34 {offsets = [1287, 0], sizes = [1, 128], strides = [1, 1]} : vector<1600x128xf32> to vector<1x128xf32>
    %slice3A_115 = vector.extract_strided_slice %dot_general3A_34 {offsets = [1312, 0], sizes = [1, 128], strides = [1, 1]} : vector<1600x128xf32> to vector<1x128xf32>
    %slice3A_116 = vector.extract_strided_slice %dot_general3A_34 {offsets = [1337, 0], sizes = [1, 128], strides = [1, 1]} : vector<1600x128xf32> to vector<1x128xf32>
    %slice3A_117 = vector.extract_strided_slice %dot_general3A_34 {offsets = [1362, 0], sizes = [1, 128], strides = [1, 1]} : vector<1600x128xf32> to vector<1x128xf32>
    %slice3A_118 = vector.extract_strided_slice %dot_general3A_34 {offsets = [1387, 0], sizes = [1, 128], strides = [1, 1]} : vector<1600x128xf32> to vector<1x128xf32>
    %slice3A_119 = vector.extract_strided_slice %dot_general3A_34 {offsets = [1412, 0], sizes = [1, 128], strides = [1, 1]} : vector<1600x128xf32> to vector<1x128xf32>
    %slice3A_120 = vector.extract_strided_slice %dot_general3A_34 {offsets = [1437, 0], sizes = [1, 128], strides = [1, 1]} : vector<1600x128xf32> to vector<1x128xf32>
    %slice3A_121 = vector.extract_strided_slice %dot_general3A_34 {offsets = [1462, 0], sizes = [1, 128], strides = [1, 1]} : vector<1600x128xf32> to vector<1x128xf32>
    %slice3A_122 = vector.extract_strided_slice %dot_general3A_34 {offsets = [1487, 0], sizes = [1, 128], strides = [1, 1]} : vector<1600x128xf32> to vector<1x128xf32>
    %slice3A_123 = vector.extract_strided_slice %dot_general3A_34 {offsets = [1512, 0], sizes = [1, 128], strides = [1, 1]} : vector<1600x128xf32> to vector<1x128xf32>
    %slice3A_124 = vector.extract_strided_slice %dot_general3A_34 {offsets = [1537, 0], sizes = [1, 128], strides = [1, 1]} : vector<1600x128xf32> to vector<1x128xf32>
    %slice3A_125 = vector.extract_strided_slice %dot_general3A_34 {offsets = [1562, 0], sizes = [1, 128], strides = [1, 1]} : vector<1600x128xf32> to vector<1x128xf32>
    %slice3A_126 = vector.extract_strided_slice %dot_general3A_34 {offsets = [1587, 0], sizes = [1, 128], strides = [1, 1]} : vector<1600x128xf32> to vector<1x128xf32>
    %concatenate3A = tpu.concatenate %slice3A, %slice3A_64, %slice3A_65, %slice3A_66, %slice3A_67, %slice3A_68, %slice3A_69, %slice3A_70, %slice3A_71, %slice3A_72, %slice3A_73, %slice3A_74, %slice3A_75, %slice3A_76, %slice3A_77, %slice3A_78, %slice3A_79, %slice3A_80, %slice3A_81, %slice3A_82, %slice3A_83, %slice3A_84, %slice3A_85, %slice3A_86, %slice3A_87, %slice3A_88, %slice3A_89, %slice3A_90, %slice3A_91, %slice3A_92, %slice3A_93, %slice3A_94, %slice3A_95, %slice3A_96, %slice3A_97, %slice3A_98, %slice3A_99, %slice3A_100, %slice3A_101, %slice3A_102, %slice3A_103, %slice3A_104, %slice3A_105, %slice3A_106, %slice3A_107, %slice3A_108, %slice3A_109, %slice3A_110, %slice3A_111, %slice3A_112, %slice3A_113, %slice3A_114, %slice3A_115, %slice3A_116, %slice3A_117, %slice3A_118, %slice3A_119, %slice3A_120, %slice3A_121, %slice3A_122, %slice3A_123, %slice3A_124, %slice3A_125, %slice3A_126 in 0 : vector<1x128xf32>, vector<1x128xf32>, vector<1x128xf32>, vector<1x128xf32>, vector<1x128xf32>, vector<1x128xf32>, vector<1x128xf32>, vector<1x128xf32>, vector<1x128xf32>, vector<1x128xf32>, vector<1x128xf32>, vector<1x128xf32>, vector<1x128xf32>, vector<1x128xf32>, vector<1x128xf32>, vector<1x128xf32>, vector<1x128xf32>, vector<1x128xf32>, vector<1x128xf32>, vector<1x128xf32>, vector<1x128xf32>, vector<1x128xf32>, vector<1x128xf32>, vector<1x128xf32>, vector<1x128xf32>, vector<1x128xf32>, vector<1x128xf32>, vector<1x128xf32>, vector<1x128xf32>, vector<1x128xf32>, vector<1x128xf32>, vector<1x128xf32>, vector<1x128xf32>, vector<1x128xf32>, vector<1x128xf32>, vector<1x128xf32>, vector<1x128xf32>, vector<1x128xf32>, vector<1x128xf32>, vector<1x128xf32>, vector<1x128xf32>, vector<1x128xf32>, vector<1x128xf32>, vector<1x128xf32>, vector<1x128xf32>, vector<1x128xf32>, vector<1x128xf32>, vector<1x128xf32>, vector<1x128xf32>, vector<1x128xf32>, vector<1x128xf32>, vector<1x128xf32>, vector<1x128xf32>, vector<1x128xf32>, vector<1x128xf32>, vector<1x128xf32>, vector<1x128xf32>, vector<1x128xf32>, vector<1x128xf32>, vector<1x128xf32>, vector<1x128xf32>, vector<1x128xf32>, vector<1x128xf32>, vector<1x128xf32> -> vector<64x128xf32>
    %swap3A_127 = arith.constant 0 : index
    %swap3A_128 = arith.constant 0 : index
    %swap3A_129 = vector.load %arg7[%swap3A_127, %swap3A_128] : memref<64x128xf32, #tpu.memory_space<vmem>>, vector<64x128xf32>
    tpu.vector_store %arg7[%swap3A_127, %swap3A_128], %concatenate3A {strides = array<i32>} : memref<64x128xf32, #tpu.memory_space<vmem>>, vector<64x128xf32>,
    return
  }
  func.func @transform_0(%arg0: i32) -> (i32, i32) {
    %c0_i32 = arith.constant 0 : i32
    %c0_i32_0 = arith.constant 0 : i32
    return %arg0, %c0_i32 : i32, i32
  }
  func.func @transform_1(%arg0: i32) -> (i32, i32) {
    %min3A = arith.constant 2 : i32
    %min3A_0 = arith.minsi %arg0, %min3A : i32
    %c0_i32 = arith.constant 0 : i32
    %c0_i32_1 = arith.constant 0 : i32
    return %min3A_0, %c0_i32 : i32, i32
  }
  func.func @transform_2(%arg0: i32) -> (i32, i32) {
    %c0_i32 = arith.constant 0 : i32
    %c0_i32_0 = arith.constant 0 : i32
    %c0_i32_1 = arith.constant 0 : i32
    return %c0_i32, %c0_i32_0 : i32, i32
  }
  func.func @transform_3(%arg0: i32) -> (i32, i32) {
    %c0_i32 = arith.constant 0 : i32
    %c0_i32_0 = arith.constant 0 : i32
    %c0_i32_1 = arith.constant 0 : i32
    return %c0_i32, %c0_i32_0 : i32, i32
  }
  func.func @transform_4(%arg0: i32) -> (i32, i32) {
    %c0_i32 = arith.constant 0 : i32
    %c0_i32_0 = arith.constant 0 : i32
    return %arg0, %c0_i32 : i32, i32
  }
  func.func @transform_5(%arg0: i32) -> (i32, i32) {
    %c0_i32 = arith.constant 0 : i32
    %c0_i32_0 = arith.constant 0 : i32
    %c0_i32_1 = arith.constant 0 : i32
    return %c0_i32, %c0_i32_0 : i32, i32
  }
  func.func @transform_6(%arg0: i32) -> (i32, i32) {
    %c0_i32 = arith.constant 0 : i32
    %c0_i32_0 = arith.constant 0 : i32
    return %arg0, %c0_i32 : i32, i32
  }
}

module attributes {stable_mosaic.version = 14 : i64} {
  func.func @_band_body(%arg0: i32, %arg1: memref<200x256xf32, #tpu.memory_space<vmem>>, %arg2: memref<4856x128xbf16, #tpu.memory_space<vmem>>, %arg3: memref<8x128xf32, #tpu.memory_space<vmem>>, %arg4: memref<200x128xbf16, #tpu.memory_space<vmem>>, %arg5: memref<8x128xf32, #tpu.memory_space<vmem>>, %arg6: memref<8x128xf32, #tpu.memory_space<vmem>>) attributes {dimension_semantics = [#tpu.dimension_semantics<arbitrary>], iteration_bounds = array<i64: 24>, scalar_prefetch = 0 : i64, scratch_operands = 0 : i64, tpu.core_type = #tpu.core_type<tc>, window_params = [{transform_indices = @transform_0, window_bounds = array<i64: 200, 256>}, {pipeline_mode = #tpu.pipeline_mode<synchronous>, transform_indices = @transform_1, window_bounds = array<i64: 4856, 128>}, {pipeline_mode = #tpu.pipeline_mode<synchronous>, transform_indices = @transform_2, window_bounds = array<i64: 8, 128>}, {transform_indices = @transform_3, window_bounds = array<i64: 200, 128>}, {transform_indices = @transform_4, window_bounds = array<i64: 8, 128>}, {pipeline_mode = #tpu.pipeline_mode<synchronous>, transform_indices = @transform_5, window_bounds = array<i64: 8, 128>}]} {
    %mul3A = arith.constant 200 : i32
    %mul3A_0 = arith.muli %arg0, %mul3A : i32
    %get3A = arith.index_cast %mul3A_0 : i32 to index
    %get3A_1 = arith.constant 0 : index
    %get3A_2 = vector.load %arg2[%get3A, %get3A_1] : memref<4856x128xbf16, #tpu.memory_space<vmem>>, vector<256x128xbf16>
    %convert_element_type3A = arith.extf %get3A_2 : vector<256x128xbf16> to vector<256x128xf32>
    %get3A_3 = arith.constant 0 : index
    %get3A_4 = arith.constant 0 : index
    %get3A_5 = vector.load %arg3[%get3A_3, %get3A_4] : memref<8x128xf32, #tpu.memory_space<vmem>>, vector<1x128xf32>
    %get3A_6 = arith.constant 1 : index
    %get3A_7 = arith.constant 0 : index
    %get3A_8 = vector.load %arg3[%get3A_6, %get3A_7] : memref<8x128xf32, #tpu.memory_space<vmem>>, vector<1x128xf32>
    %get3A_9 = arith.constant 2 : index
    %get3A_10 = arith.constant 0 : index
    %get3A_11 = vector.load %arg3[%get3A_9, %get3A_10] : memref<8x128xf32, #tpu.memory_space<vmem>>, vector<1x128xf32>
    %get3A_12 = vector.shape_cast %get3A_11 : vector<1x128xf32> to vector<128xf32>
    %dot_general3A = arith.constant dense<0.000000e+00> : vector<1x256xf32>
    %dot_general3A_13 = tpu.matmul %get3A_5, %convert_element_type3A, %dot_general3A {dimension_numbers = #tpu.dot_dimension_numbers<[1], [1], [0], [0], [0, 0, 1, 0], [], []>, transpose_lhs_hint = false} : vector<1x128xf32>, vector<256x128xf32>, vector<1x256xf32> -> vector<1x256xf32>
    %slice3A = vector.extract_strided_slice %convert_element_type3A {offsets = [24, 0], sizes = [200, 128], strides = [1, 1]} : vector<256x128xf32> to vector<200x128xf32>
    %dot_general3A_14 = arith.constant dense<0.000000e+00> : vector<200x1xf32>
    %dot_general3A_15 = tpu.matmul %slice3A, %get3A_8, %dot_general3A_14 {dimension_numbers = #tpu.dot_dimension_numbers<[1], [1], [0], [0], [0, 0, 1, 0], [], []>, transpose_lhs_hint = false} : vector<200x128xf32>, vector<1x128xf32>, vector<200x1xf32> -> vector<200x1xf32>
    %add3A = vector.broadcast %dot_general3A_13 : vector<1x256xf32> to vector<200x256xf32>
    %add3A_16 = vector.broadcast %dot_general3A_15 : vector<200x1xf32> to vector<200x256xf32>
    %add3A_17 = arith.addf %add3A, %add3A_16 : vector<200x256xf32>
    %ge3A = arith.constant 0.000000e+00 : f32
    %ge3A_18 = vector.broadcast %ge3A : f32 to vector<200x256xf32>
    %ge3A_19 = arith.cmpf oge, %add3A_17, %ge3A_18 : vector<200x256xf32>
    %mul3A_20 = arith.constant 2.000000e-01 : f32
    %mul3A_21 = vector.broadcast %mul3A_20 : f32 to vector<200x256xf32>
    %mul3A_22 = arith.mulf %mul3A_21, %add3A_17 : vector<200x256xf32>
    %select_n3A = arith.select %ge3A_19, %add3A_17, %mul3A_22 : vector<200x256xi1>, vector<200x256xf32>
    %get3A_23 = arith.constant 0 : index
    %get3A_24 = arith.constant 0 : index
    %get3A_25 = vector.load %arg1[%get3A_23, %get3A_24] : memref<200x256xf32, #tpu.memory_space<vmem>>, vector<200x256xf32>
    %iota3A = tpu.iota {dimensions = array<i32: 0>} : vector<200x256xi32>
    %iota3A_26 = tpu.iota {dimensions = array<i32: 1>} : vector<200x256xi32>
    %add3A_27 = arith.constant 24 : i32
    %add3A_28 = vector.broadcast %add3A_27 : i32 to vector<200x256xi32>
    %add3A_29 = arith.addi %iota3A, %add3A_28 : vector<200x256xi32>
    %eq3A = arith.cmpi eq, %iota3A_26, %add3A_29 : vector<200x256xi32>
    %jit3A = arith.constant 1.000000e+00 : f32
    %jit3A_30 = arith.constant 0.000000e+00 : f32
    %broadcast_in_dim3A = vector.broadcast %jit3A : f32 to vector<200x256xf32>
    %broadcast_in_dim3A_31 = vector.broadcast %jit3A_30 : f32 to vector<200x256xf32>
    %select_n3A_32 = arith.select %eq3A, %broadcast_in_dim3A, %broadcast_in_dim3A_31 : vector<200x256xi1>, vector<200x256xf32>
    %add3A_33 = arith.addf %get3A_25, %select_n3A_32 : vector<200x256xf32>
    %gt3A = arith.constant 0.000000e+00 : f32
    %gt3A_34 = vector.broadcast %gt3A : f32 to vector<200x256xf32>
    %gt3A_35 = arith.cmpf ogt, %add3A_33, %gt3A_34 : vector<200x256xf32>
    %jit3A_36 = arith.constant -1.000000e+30 : f32
    %broadcast_in_dim3A_37 = vector.broadcast %jit3A_36 : f32 to vector<200x256xf32>
    %select_n3A_38 = arith.select %gt3A_35, %select_n3A, %broadcast_in_dim3A_37 : vector<200x256xi1>, vector<200x256xf32>
    %reduce_max3A = arith.constant dense<0xFF800000> : vector<200xf32>
    %reduce_max3A_39 = vector.multi_reduction <maximumf>, %select_n3A_38, %reduce_max3A [1] : vector<200x256xf32> to vector<200xf32>
    %broadcast_in_dim3A_40 = vector.shape_cast %reduce_max3A_39 : vector<200xf32> to vector<200x1xf32>
    %sub3A = vector.broadcast %broadcast_in_dim3A_40 : vector<200x1xf32> to vector<200x256xf32>
    %sub3A_41 = arith.subf %select_n3A, %sub3A : vector<200x256xf32>
    %exp3A = math.exp %sub3A_41 : vector<200x256xf32>
    %mul3A_42 = arith.mulf %add3A_33, %exp3A : vector<200x256xf32>
    %reduce_sum3A = arith.constant dense<0.000000e+00> : vector<200xf32>
    %reduce_sum3A_43 = vector.multi_reduction <add>, %mul3A_42, %reduce_sum3A [1] : vector<200x256xf32> to vector<200xf32>
    %broadcast_in_dim3A_44 = vector.shape_cast %reduce_sum3A_43 : vector<200xf32> to vector<200x1xf32>
    %dot_general3A_45 = arith.constant dense<0.000000e+00> : vector<200x128xf32>
    %dot_general3A_46 = tpu.matmul %mul3A_42, %convert_element_type3A, %dot_general3A_45 {dimension_numbers = #tpu.dot_dimension_numbers<[1], [0], [0], [1], [0, 0, 1, 1], [], []>, transpose_lhs_hint = false} : vector<200x256xf32>, vector<256x128xf32>, vector<200x128xf32> -> vector<200x128xf32>
    %add3A_47 = arith.constant 1.000000e-16 : f32
    %add3A_48 = vector.broadcast %add3A_47 : f32 to vector<200x1xf32>
    %add3A_49 = arith.addf %broadcast_in_dim3A_44, %add3A_48 : vector<200x1xf32>
    %div3A = arith.constant 1.000000e+00 : f32
    %div3A_50 = vector.broadcast %div3A : f32 to vector<200x1xf32>
    %div3A_51 = arith.divf %div3A_50, %add3A_49 : vector<200x1xf32>
    %mul3A_52 = vector.broadcast %div3A_51 : vector<200x1xf32> to vector<200x128xf32>
    %mul3A_53 = arith.mulf %dot_general3A_46, %mul3A_52 : vector<200x128xf32>
    %convert_element_type3A_54 = arith.truncf %mul3A_53 : vector<200x128xf32> to vector<200x128xbf16>
    %swap3A = arith.constant 0 : index
    %swap3A_55 = arith.constant 0 : index
    %swap3A_56 = vector.load %arg4[%swap3A, %swap3A_55] : memref<200x128xbf16, #tpu.memory_space<vmem>>, vector<200x128xbf16>
    tpu.vector_store %arg4[%swap3A, %swap3A_55], %convert_element_type3A_54 {strides = array<i32>} : memref<200x128xbf16, #tpu.memory_space<vmem>>, vector<200x128xbf16>,
    %slice3A_57 = vector.extract_strided_slice %mul3A_53 {offsets = [12, 0], sizes = [1, 128], strides = [1, 1]} : vector<200x128xf32> to vector<1x128xf32>
    %slice3A_58 = vector.extract_strided_slice %mul3A_53 {offsets = [37, 0], sizes = [1, 128], strides = [1, 1]} : vector<200x128xf32> to vector<1x128xf32>
    %slice3A_59 = vector.extract_strided_slice %mul3A_53 {offsets = [62, 0], sizes = [1, 128], strides = [1, 1]} : vector<200x128xf32> to vector<1x128xf32>
    %slice3A_60 = vector.extract_strided_slice %mul3A_53 {offsets = [87, 0], sizes = [1, 128], strides = [1, 1]} : vector<200x128xf32> to vector<1x128xf32>
    %slice3A_61 = vector.extract_strided_slice %mul3A_53 {offsets = [112, 0], sizes = [1, 128], strides = [1, 1]} : vector<200x128xf32> to vector<1x128xf32>
    %slice3A_62 = vector.extract_strided_slice %mul3A_53 {offsets = [137, 0], sizes = [1, 128], strides = [1, 1]} : vector<200x128xf32> to vector<1x128xf32>
    %slice3A_63 = vector.extract_strided_slice %mul3A_53 {offsets = [162, 0], sizes = [1, 128], strides = [1, 1]} : vector<200x128xf32> to vector<1x128xf32>
    %slice3A_64 = vector.extract_strided_slice %mul3A_53 {offsets = [187, 0], sizes = [1, 128], strides = [1, 1]} : vector<200x128xf32> to vector<1x128xf32>
    %concatenate3A = tpu.concatenate %slice3A_57, %slice3A_58, %slice3A_59, %slice3A_60, %slice3A_61, %slice3A_62, %slice3A_63, %slice3A_64 in 0 : vector<1x128xf32>, vector<1x128xf32>, vector<1x128xf32>, vector<1x128xf32>, vector<1x128xf32>, vector<1x128xf32>, vector<1x128xf32>, vector<1x128xf32> -> vector<8x128xf32>
    %swap3A_65 = arith.constant 0 : index
    %swap3A_66 = arith.constant 0 : index
    %swap3A_67 = vector.load %arg5[%swap3A_65, %swap3A_66] : memref<8x128xf32, #tpu.memory_space<vmem>>, vector<8x128xf32>
    tpu.vector_store %arg5[%swap3A_65, %swap3A_66], %concatenate3A {strides = array<i32>} : memref<8x128xf32, #tpu.memory_space<vmem>>, vector<8x128xf32>,
    %broadcast_in_dim3A_68 = vector.shape_cast %get3A_12 : vector<128xf32> to vector<1x128xf32>
    %add3A_69 = vector.broadcast %broadcast_in_dim3A_68 : vector<1x128xf32> to vector<200x128xf32>
    %add3A_70 = arith.addf %mul3A_53, %add3A_69 : vector<200x128xf32>
    %broadcast_in_dim3A_71 = vector.shape_cast %get3A_12 : vector<128xf32> to vector<1x128xf32>
    %add3A_72 = vector.broadcast %broadcast_in_dim3A_71 : vector<1x128xf32> to vector<200x128xf32>
    %add3A_73 = arith.addf %slice3A, %add3A_72 : vector<200x128xf32>
    %eq3A_74 = arith.constant 0 : i32
    %eq3A_75 = arith.cmpi eq, %arg0, %eq3A_74 : i32
    %convert_element_type3A_76 = arith.extui %eq3A_75 : i1 to i32
    %cond3A = arith.constant 0 : i32
    %cond3A_77 = arith.cmpi ne, %convert_element_type3A_76, %cond3A : i32
    scf.if %cond3A_77 {
      %broadcast_in_dim3A_108 = arith.constant 0.000000e+00 : f32
      %broadcast_in_dim3A_109 = vector.broadcast %broadcast_in_dim3A_108 : f32 to vector<8x128xf32>
      %swap3A_110 = arith.constant 0 : index
      %swap3A_111 = arith.constant 0 : index
      %swap3A_112 = vector.load %arg6[%swap3A_110, %swap3A_111] : memref<8x128xf32, #tpu.memory_space<vmem>>, vector<8x128xf32>
      tpu.vector_store %arg6[%swap3A_110, %swap3A_111], %broadcast_in_dim3A_109 {strides = array<i32>} : memref<8x128xf32, #tpu.memory_space<vmem>>, vector<8x128xf32>,
    } else {
    }
    %get3A_78 = arith.constant 0 : index
    %get3A_79 = arith.constant 0 : index
    %get3A_80 = vector.load %arg6[%get3A_78, %get3A_79] : memref<8x128xf32, #tpu.memory_space<vmem>>, vector<1x128xf32>
    %reduce_sum3A_81 = arith.constant dense<0.000000e+00> : vector<128xf32>
    %reduce_sum3A_82 = vector.multi_reduction <add>, %add3A_70, %reduce_sum3A_81 [0] : vector<200x128xf32> to vector<128xf32>
    %broadcast_in_dim3A_83 = vector.shape_cast %reduce_sum3A_82 : vector<128xf32> to vector<1x128xf32>
    %reduce_sum3A_84 = arith.constant dense<0.000000e+00> : vector<128xf32>
    %reduce_sum3A_85 = vector.multi_reduction <add>, %add3A_73, %reduce_sum3A_84 [0] : vector<200x128xf32> to vector<128xf32>
    %broadcast_in_dim3A_86 = vector.shape_cast %reduce_sum3A_85 : vector<128xf32> to vector<1x128xf32>
    %sub3A_87 = arith.subf %broadcast_in_dim3A_83, %broadcast_in_dim3A_86 : vector<1x128xf32>
    %add3A_88 = arith.addf %get3A_80, %sub3A_87 : vector<1x128xf32>
    %swap3A_89 = arith.constant 0 : index
    %swap3A_90 = arith.constant 0 : index
    %swap3A_91 = vector.load %arg6[%swap3A_89, %swap3A_90] : memref<8x128xf32, #tpu.memory_space<vmem>>, vector<1x128xf32>
    tpu.vector_store %arg6[%swap3A_89, %swap3A_90], %add3A_88 {strides = array<i32>} : memref<8x128xf32, #tpu.memory_space<vmem>>, vector<1x128xf32>,
    %get3A_92 = arith.constant 1 : index
    %get3A_93 = arith.constant 0 : index
    %get3A_94 = vector.load %arg6[%get3A_92, %get3A_93] : memref<8x128xf32, #tpu.memory_space<vmem>>, vector<1x128xf32>
    %mul3A_95 = arith.mulf %add3A_70, %add3A_70 : vector<200x128xf32>
    %reduce_sum3A_96 = arith.constant dense<0.000000e+00> : vector<128xf32>
    %reduce_sum3A_97 = vector.multi_reduction <add>, %mul3A_95, %reduce_sum3A_96 [0] : vector<200x128xf32> to vector<128xf32>
    %broadcast_in_dim3A_98 = vector.shape_cast %reduce_sum3A_97 : vector<128xf32> to vector<1x128xf32>
    %mul3A_99 = arith.mulf %add3A_73, %add3A_73 : vector<200x128xf32>
    %reduce_sum3A_100 = arith.constant dense<0.000000e+00> : vector<128xf32>
    %reduce_sum3A_101 = vector.multi_reduction <add>, %mul3A_99, %reduce_sum3A_100 [0] : vector<200x128xf32> to vector<128xf32>
    %broadcast_in_dim3A_102 = vector.shape_cast %reduce_sum3A_101 : vector<128xf32> to vector<1x128xf32>
    %sub3A_103 = arith.subf %broadcast_in_dim3A_98, %broadcast_in_dim3A_102 : vector<1x128xf32>
    %add3A_104 = arith.addf %get3A_94, %sub3A_103 : vector<1x128xf32>
    %swap3A_105 = arith.constant 1 : index
    %swap3A_106 = arith.constant 0 : index
    %swap3A_107 = vector.load %arg6[%swap3A_105, %swap3A_106] : memref<8x128xf32, #tpu.memory_space<vmem>>, vector<1x128xf32>
    tpu.vector_store %arg6[%swap3A_105, %swap3A_106], %add3A_104 {strides = array<i32>} : memref<8x128xf32, #tpu.memory_space<vmem>>, vector<1x128xf32>,
    return
  }
  func.func @transform_0(%arg0: i32) -> (i32, i32) {
    %c0_i32 = arith.constant 0 : i32
    %c0_i32_0 = arith.constant 0 : i32
    return %arg0, %c0_i32 : i32, i32
  }
  func.func @transform_1(%arg0: i32) -> (i32, i32) {
    %c0_i32 = arith.constant 0 : i32
    %c0_i32_0 = arith.constant 0 : i32
    %c0_i32_1 = arith.constant 0 : i32
    return %c0_i32, %c0_i32_0 : i32, i32
  }
  func.func @transform_2(%arg0: i32) -> (i32, i32) {
    %c0_i32 = arith.constant 0 : i32
    %c0_i32_0 = arith.constant 0 : i32
    %c0_i32_1 = arith.constant 0 : i32
    return %c0_i32, %c0_i32_0 : i32, i32
  }
  func.func @transform_3(%arg0: i32) -> (i32, i32) {
    %c0_i32 = arith.constant 0 : i32
    %c0_i32_0 = arith.constant 0 : i32
    return %arg0, %c0_i32 : i32, i32
  }
  func.func @transform_4(%arg0: i32) -> (i32, i32) {
    %c0_i32 = arith.constant 0 : i32
    %c0_i32_0 = arith.constant 0 : i32
    return %arg0, %c0_i32 : i32, i32
  }
  func.func @transform_5(%arg0: i32) -> (i32, i32) {
    %c0_i32 = arith.constant 0 : i32
    %c0_i32_0 = arith.constant 0 : i32
    %c0_i32_1 = arith.constant 0 : i32
    return %c0_i32, %c0_i32_0 : i32, i32
  }
}

module attributes {stable_mosaic.version = 14 : i64} {
  func.func @_d1_body(%arg0: i32, %arg1: memref<256x128xf32, #tpu.memory_space<vmem>>, %arg2: memref<256x128xf32, #tpu.memory_space<vmem>>, %arg3: memref<256x128xf32, #tpu.memory_space<vmem>>, %arg4: memref<256x128xf32, #tpu.memory_space<vmem>>, %arg5: memref<256x64xf32, #tpu.memory_space<vmem>>, %arg6: memref<256x32xf32, #tpu.memory_space<vmem>>, %arg7: memref<8x384xf32, #tpu.memory_space<vmem>>, %arg8: memref<8x256xf32, #tpu.memory_space<vmem>>, %arg9: memref<256x384xf32, #tpu.memory_space<vmem>>, %arg10: memref<256x256xf32, #tpu.memory_space<vmem>>, %arg11: memref<8x256xf32, #tpu.memory_space<vmem>>) attributes {dimension_semantics = [#tpu.dimension_semantics<arbitrary>], iteration_bounds = array<i64: 16>, scalar_prefetch = 0 : i64, scratch_operands = 0 : i64, tpu.core_type = #tpu.core_type<tc>, window_params = [{transform_indices = @transform_0, window_bounds = array<i64: 256, 128>}, {pipeline_mode = #tpu.pipeline_mode<synchronous>, transform_indices = @transform_1, window_bounds = array<i64: 256, 128>}, {transform_indices = @transform_2, window_bounds = array<i64: 256, 128>}, {pipeline_mode = #tpu.pipeline_mode<synchronous>, transform_indices = @transform_3, window_bounds = array<i64: 256, 128>}, {transform_indices = @transform_4, window_bounds = array<i64: 256, 64>}, {transform_indices = @transform_5, window_bounds = array<i64: 256, 32>}, {pipeline_mode = #tpu.pipeline_mode<synchronous>, transform_indices = @transform_6, window_bounds = array<i64: 8, 384>}, {pipeline_mode = #tpu.pipeline_mode<synchronous>, transform_indices = @transform_7, window_bounds = array<i64: 8, 256>}, {pipeline_mode = #tpu.pipeline_mode<synchronous>, transform_indices = @transform_8, window_bounds = array<i64: 256, 384>}, {transform_indices = @transform_9, window_bounds = array<i64: 256, 256>}, {pipeline_mode = #tpu.pipeline_mode<synchronous>, transform_indices = @transform_10, window_bounds = array<i64: 8, 256>}]} {
    %iota3A = tpu.iota {dimensions = array<i32: 0>} : vector<256x1xi32>
    %mul3A = arith.constant 256 : i32
    %mul3A_0 = arith.muli %arg0, %mul3A : i32
    %add3A = vector.broadcast %mul3A_0 : i32 to vector<256x1xi32>
    %add3A_1 = arith.addi %iota3A, %add3A : vector<256x1xi32>
    %lt3A = arith.constant 176 : i32
    %lt3A_2 = vector.broadcast %lt3A : i32 to vector<256x1xi32>
    %lt3A_3 = arith.cmpi slt, %add3A_1, %lt3A_2 : vector<256x1xi32>
    %get3A = arith.constant 0 : index
    %get3A_4 = arith.constant 0 : index
    %get3A_5 = vector.load %arg2[%get3A, %get3A_4] : memref<256x128xf32, #tpu.memory_space<vmem>>, vector<256x128xf32>
    %get3A_6 = arith.constant 0 : index
    %get3A_7 = arith.constant 0 : index
    %get3A_8 = vector.load %arg1[%get3A_6, %get3A_7] : memref<256x128xf32, #tpu.memory_space<vmem>>, vector<256x128xf32>
    %broadcast_in_dim3A = vector.shape_cast %lt3A_3 : vector<256x1xi1> to vector<256x1xi1>
    %broadcast_in_dim3A_9 = vector.broadcast %broadcast_in_dim3A : vector<256x1xi1> to vector<256x128xi1>
    %select_n3A = arith.select %broadcast_in_dim3A_9, %get3A_5, %get3A_8 : vector<256x128xi1>, vector<256x128xf32>
    %get3A_10 = arith.constant 0 : index
    %get3A_11 = arith.constant 0 : index
    %get3A_12 = vector.load %arg4[%get3A_10, %get3A_11] : memref<256x128xf32, #tpu.memory_space<vmem>>, vector<256x128xf32>
    %get3A_13 = arith.constant 0 : index
    %get3A_14 = arith.constant 0 : index
    %get3A_15 = vector.load %arg3[%get3A_13, %get3A_14] : memref<256x128xf32, #tpu.memory_space<vmem>>, vector<256x128xf32>
    %broadcast_in_dim3A_16 = vector.shape_cast %lt3A_3 : vector<256x1xi1> to vector<256x1xi1>
    %broadcast_in_dim3A_17 = vector.broadcast %broadcast_in_dim3A_16 : vector<256x1xi1> to vector<256x128xi1>
    %select_n3A_18 = arith.select %broadcast_in_dim3A_17, %get3A_12, %get3A_15 : vector<256x128xi1>, vector<256x128xf32>
    %get3A_19 = arith.constant 0 : index
    %get3A_20 = arith.constant 0 : index
    %get3A_21 = vector.load %arg5[%get3A_19, %get3A_20] : memref<256x64xf32, #tpu.memory_space<vmem>>, vector<256x64xf32>
    %get3A_22 = arith.constant 0 : index
    %get3A_23 = arith.constant 0 : index
    %get3A_24 = vector.load %arg6[%get3A_22, %get3A_23] : memref<256x32xf32, #tpu.memory_space<vmem>>, vector<256x32xf32>
    %broadcast_in_dim3A_25 = arith.constant 0.000000e+00 : f32
    %broadcast_in_dim3A_26 = vector.broadcast %broadcast_in_dim3A_25 : f32 to vector<256x32xf32>
    %concatenate3A = tpu.concatenate %select_n3A, %select_n3A_18, %get3A_21, %get3A_24, %broadcast_in_dim3A_26 in 1 : vector<256x128xf32>, vector<256x128xf32>, vector<256x64xf32>, vector<256x32xf32>, vector<256x32xf32> -> vector<256x384xf32>
    %get3A_27 = arith.constant 0 : index
    %get3A_28 = arith.constant 0 : index
    %get3A_29 = vector.load %arg7[%get3A_27, %get3A_28] : memref<8x384xf32, #tpu.memory_space<vmem>>, vector<1x384xf32>
    %get3A_30 = vector.shape_cast %get3A_29 : vector<1x384xf32> to vector<384xf32>
    %get3A_31 = arith.constant 1 : index
    %get3A_32 = arith.constant 0 : index
    %get3A_33 = vector.load %arg7[%get3A_31, %get3A_32] : memref<8x384xf32, #tpu.memory_space<vmem>>, vector<1x384xf32>
    %get3A_34 = vector.shape_cast %get3A_33 : vector<1x384xf32> to vector<384xf32>
    %get3A_35 = arith.constant 2 : index
    %get3A_36 = arith.constant 0 : index
    %get3A_37 = vector.load %arg7[%get3A_35, %get3A_36] : memref<8x384xf32, #tpu.memory_space<vmem>>, vector<1x384xf32>
    %get3A_38 = vector.shape_cast %get3A_37 : vector<1x384xf32> to vector<384xf32>
    %broadcast_in_dim3A_39 = vector.shape_cast %get3A_30 : vector<384xf32> to vector<1x384xf32>
    %mul3A_40 = vector.broadcast %broadcast_in_dim3A_39 : vector<1x384xf32> to vector<256x384xf32>
    %mul3A_41 = arith.mulf %concatenate3A, %mul3A_40 : vector<256x384xf32>
    %broadcast_in_dim3A_42 = vector.shape_cast %get3A_34 : vector<384xf32> to vector<1x384xf32>
    %add3A_43 = vector.broadcast %broadcast_in_dim3A_42 : vector<1x384xf32> to vector<256x384xf32>
    %add3A_44 = arith.addf %mul3A_41, %add3A_43 : vector<256x384xf32>
    %ge3A = arith.constant 0.000000e+00 : f32
    %ge3A_45 = vector.broadcast %ge3A : f32 to vector<256x384xf32>
    %ge3A_46 = arith.cmpf oge, %add3A_44, %ge3A_45 : vector<256x384xf32>
    %broadcast_in_dim3A_47 = vector.shape_cast %get3A_38 : vector<384xf32> to vector<1x384xf32>
    %mul3A_48 = vector.broadcast %broadcast_in_dim3A_47 : vector<1x384xf32> to vector<256x384xf32>
    %mul3A_49 = arith.mulf %mul3A_48, %add3A_44 : vector<256x384xf32>
    %select_n3A_50 = arith.select %ge3A_46, %add3A_44, %mul3A_49 : vector<256x384xi1>, vector<256x384xf32>
    %get3A_51 = arith.constant 0 : index
    %get3A_52 = arith.constant 0 : index
    %get3A_53 = vector.load %arg9[%get3A_51, %get3A_52] : memref<256x384xf32, #tpu.memory_space<vmem>>, vector<256x384xf32>
    %dot_general3A = arith.constant dense<0.000000e+00> : vector<256x256xf32>
    %dot_general3A_54 = tpu.matmul %select_n3A_50, %get3A_53, %dot_general3A {dimension_numbers = #tpu.dot_dimension_numbers<[1], [1], [0], [0], [0, 0, 1, 0], [], []>, transpose_lhs_hint = false} : vector<256x384xf32>, vector<256x384xf32>, vector<256x256xf32> -> vector<256x256xf32>
    %get3A_55 = arith.constant 0 : index
    %get3A_56 = arith.constant 0 : index
    %get3A_57 = vector.load %arg8[%get3A_55, %get3A_56] : memref<8x256xf32, #tpu.memory_space<vmem>>, vector<1x256xf32>
    %add3A_58 = vector.broadcast %get3A_57 : vector<1x256xf32> to vector<256x256xf32>
    %add3A_59 = arith.addf %dot_general3A_54, %add3A_58 : vector<256x256xf32>
    %swap3A = arith.constant 0 : index
    %swap3A_60 = arith.constant 0 : index
    %swap3A_61 = vector.load %arg10[%swap3A, %swap3A_60] : memref<256x256xf32, #tpu.memory_space<vmem>>, vector<256x256xf32>
    tpu.vector_store %arg10[%swap3A, %swap3A_60], %add3A_59 {strides = array<i32>} : memref<256x256xf32, #tpu.memory_space<vmem>>, vector<256x256xf32>,
    %eq3A = arith.constant 0 : i32
    %eq3A_62 = arith.cmpi eq, %arg0, %eq3A : i32
    %convert_element_type3A = arith.extui %eq3A_62 : i1 to i32
    %cond3A = arith.constant 0 : i32
    %cond3A_63 = arith.cmpi ne, %convert_element_type3A, %cond3A : i32
    scf.if %cond3A_63 {
      %broadcast_in_dim3A_84 = arith.constant 0.000000e+00 : f32
      %broadcast_in_dim3A_85 = vector.broadcast %broadcast_in_dim3A_84 : f32 to vector<8x256xf32>
      %swap3A_86 = arith.constant 0 : index
      %swap3A_87 = arith.constant 0 : index
      %swap3A_88 = vector.load %arg11[%swap3A_86, %swap3A_87] : memref<8x256xf32, #tpu.memory_space<vmem>>, vector<8x256xf32>
      tpu.vector_store %arg11[%swap3A_86, %swap3A_87], %broadcast_in_dim3A_85 {strides = array<i32>} : memref<8x256xf32, #tpu.memory_space<vmem>>, vector<8x256xf32>,
    } else {
    }
    %get3A_64 = arith.constant 0 : index
    %get3A_65 = arith.constant 0 : index
    %get3A_66 = vector.load %arg11[%get3A_64, %get3A_65] : memref<8x256xf32, #tpu.memory_space<vmem>>, vector<1x256xf32>
    %reduce_sum3A = arith.constant dense<0.000000e+00> : vector<256xf32>
    %reduce_sum3A_67 = vector.multi_reduction <add>, %add3A_59, %reduce_sum3A [0] : vector<256x256xf32> to vector<256xf32>
    %broadcast_in_dim3A_68 = vector.shape_cast %reduce_sum3A_67 : vector<256xf32> to vector<1x256xf32>
    %add3A_69 = arith.addf %get3A_66, %broadcast_in_dim3A_68 : vector<1x256xf32>
    %swap3A_70 = arith.constant 0 : index
    %swap3A_71 = arith.constant 0 : index
    %swap3A_72 = vector.load %arg11[%swap3A_70, %swap3A_71] : memref<8x256xf32, #tpu.memory_space<vmem>>, vector<1x256xf32>
    tpu.vector_store %arg11[%swap3A_70, %swap3A_71], %add3A_69 {strides = array<i32>} : memref<8x256xf32, #tpu.memory_space<vmem>>, vector<1x256xf32>,
    %get3A_73 = arith.constant 1 : index
    %get3A_74 = arith.constant 0 : index
    %get3A_75 = vector.load %arg11[%get3A_73, %get3A_74] : memref<8x256xf32, #tpu.memory_space<vmem>>, vector<1x256xf32>
    %mul3A_76 = arith.mulf %add3A_59, %add3A_59 : vector<256x256xf32>
    %reduce_sum3A_77 = arith.constant dense<0.000000e+00> : vector<256xf32>
    %reduce_sum3A_78 = vector.multi_reduction <add>, %mul3A_76, %reduce_sum3A_77 [0] : vector<256x256xf32> to vector<256xf32>
    %broadcast_in_dim3A_79 = vector.shape_cast %reduce_sum3A_78 : vector<256xf32> to vector<1x256xf32>
    %add3A_80 = arith.addf %get3A_75, %broadcast_in_dim3A_79 : vector<1x256xf32>
    %swap3A_81 = arith.constant 1 : index
    %swap3A_82 = arith.constant 0 : index
    %swap3A_83 = vector.load %arg11[%swap3A_81, %swap3A_82] : memref<8x256xf32, #tpu.memory_space<vmem>>, vector<1x256xf32>
    tpu.vector_store %arg11[%swap3A_81, %swap3A_82], %add3A_80 {strides = array<i32>} : memref<8x256xf32, #tpu.memory_space<vmem>>, vector<1x256xf32>,
    return
  }
  func.func @transform_0(%arg0: i32) -> (i32, i32) {
    %c0_i32 = arith.constant 0 : i32
    %c0_i32_0 = arith.constant 0 : i32
    return %arg0, %c0_i32 : i32, i32
  }
  func.func @transform_1(%arg0: i32) -> (i32, i32) {
    %c0_i32 = arith.constant 0 : i32
    %c0_i32_0 = arith.constant 0 : i32
    %c0_i32_1 = arith.constant 0 : i32
    return %c0_i32, %c0_i32_0 : i32, i32
  }
  func.func @transform_2(%arg0: i32) -> (i32, i32) {
    %c0_i32 = arith.constant 0 : i32
    %c0_i32_0 = arith.constant 0 : i32
    return %arg0, %c0_i32 : i32, i32
  }
  func.func @transform_3(%arg0: i32) -> (i32, i32) {
    %c0_i32 = arith.constant 0 : i32
    %c0_i32_0 = arith.constant 0 : i32
    %c0_i32_1 = arith.constant 0 : i32
    return %c0_i32, %c0_i32_0 : i32, i32
  }
  func.func @transform_4(%arg0: i32) -> (i32, i32) {
    %c0_i32 = arith.constant 0 : i32
    %c0_i32_0 = arith.constant 0 : i32
    return %arg0, %c0_i32 : i32, i32
  }
  func.func @transform_5(%arg0: i32) -> (i32, i32) {
    %c0_i32 = arith.constant 0 : i32
    %c0_i32_0 = arith.constant 0 : i32
    return %arg0, %c0_i32 : i32, i32
  }
  func.func @transform_6(%arg0: i32) -> (i32, i32) {
    %c0_i32 = arith.constant 0 : i32
    %c0_i32_0 = arith.constant 0 : i32
    %c0_i32_1 = arith.constant 0 : i32
    return %c0_i32, %c0_i32_0 : i32, i32
  }
  func.func @transform_7(%arg0: i32) -> (i32, i32) {
    %c0_i32 = arith.constant 0 : i32
    %c0_i32_0 = arith.constant 0 : i32
    %c0_i32_1 = arith.constant 0 : i32
    return %c0_i32, %c0_i32_0 : i32, i32
  }
  func.func @transform_8(%arg0: i32) -> (i32, i32) {
    %c0_i32 = arith.constant 0 : i32
    %c0_i32_0 = arith.constant 0 : i32
    %c0_i32_1 = arith.constant 0 : i32
    return %c0_i32, %c0_i32_0 : i32, i32
  }
  func.func @transform_9(%arg0: i32) -> (i32, i32) {
    %c0_i32 = arith.constant 0 : i32
    %c0_i32_0 = arith.constant 0 : i32
    return %arg0, %c0_i32 : i32, i32
  }
  func.func @transform_10(%arg0: i32) -> (i32, i32) {
    %c0_i32 = arith.constant 0 : i32
    %c0_i32_0 = arith.constant 0 : i32
    %c0_i32_1 = arith.constant 0 : i32
    return %c0_i32, %c0_i32_0 : i32, i32
  }
}

module attributes {stable_mosaic.version = 14 : i64} {
  func.func @_d2_body(%arg0: i32, %arg1: memref<512x256xf32, #tpu.memory_space<vmem>>, %arg2: memref<8x256xf32, #tpu.memory_space<vmem>>, %arg3: memref<8x256xf32, #tpu.memory_space<vmem>>, %arg4: memref<512x8xf32, #tpu.memory_space<vmem>>) attributes {dimension_semantics = [#tpu.dimension_semantics<arbitrary>], iteration_bounds = array<i64: 8>, scalar_prefetch = 0 : i64, scratch_operands = 0 : i64, tpu.core_type = #tpu.core_type<tc>, window_params = [{transform_indices = @transform_0, window_bounds = array<i64: 512, 256>}, {pipeline_mode = #tpu.pipeline_mode<synchronous>, transform_indices = @transform_1, window_bounds = array<i64: 8, 256>}, {pipeline_mode = #tpu.pipeline_mode<synchronous>, transform_indices = @transform_2, window_bounds = array<i64: 8, 256>}, {transform_indices = @transform_3, window_bounds = array<i64: 512, 8>}]} {
    %get3A = arith.constant 0 : index
    %get3A_0 = arith.constant 0 : index
    %get3A_1 = vector.load %arg2[%get3A, %get3A_0] : memref<8x256xf32, #tpu.memory_space<vmem>>, vector<1x256xf32>
    %get3A_2 = vector.shape_cast %get3A_1 : vector<1x256xf32> to vector<256xf32>
    %get3A_3 = arith.constant 1 : index
    %get3A_4 = arith.constant 0 : index
    %get3A_5 = vector.load %arg2[%get3A_3, %get3A_4] : memref<8x256xf32, #tpu.memory_space<vmem>>, vector<1x256xf32>
    %get3A_6 = vector.shape_cast %get3A_5 : vector<1x256xf32> to vector<256xf32>
    %get3A_7 = arith.constant 2 : index
    %get3A_8 = arith.constant 0 : index
    %get3A_9 = vector.load %arg2[%get3A_7, %get3A_8] : memref<8x256xf32, #tpu.memory_space<vmem>>, vector<1x256xf32>
    %get3A_10 = vector.shape_cast %get3A_9 : vector<1x256xf32> to vector<256xf32>
    %get3A_11 = arith.constant 0 : index
    %get3A_12 = arith.constant 0 : index
    %get3A_13 = vector.load %arg1[%get3A_11, %get3A_12] : memref<512x256xf32, #tpu.memory_space<vmem>>, vector<512x256xf32>
    %broadcast_in_dim3A = vector.shape_cast %get3A_2 : vector<256xf32> to vector<1x256xf32>
    %mul3A = vector.broadcast %broadcast_in_dim3A : vector<1x256xf32> to vector<512x256xf32>
    %mul3A_14 = arith.mulf %get3A_13, %mul3A : vector<512x256xf32>
    %broadcast_in_dim3A_15 = vector.shape_cast %get3A_6 : vector<256xf32> to vector<1x256xf32>
    %add3A = vector.broadcast %broadcast_in_dim3A_15 : vector<1x256xf32> to vector<512x256xf32>
    %add3A_16 = arith.addf %mul3A_14, %add3A : vector<512x256xf32>
    %ge3A = arith.constant 0.000000e+00 : f32
    %ge3A_17 = vector.broadcast %ge3A : f32 to vector<512x256xf32>
    %ge3A_18 = arith.cmpf oge, %add3A_16, %ge3A_17 : vector<512x256xf32>
    %broadcast_in_dim3A_19 = vector.shape_cast %get3A_10 : vector<256xf32> to vector<1x256xf32>
    %mul3A_20 = vector.broadcast %broadcast_in_dim3A_19 : vector<1x256xf32> to vector<512x256xf32>
    %mul3A_21 = arith.mulf %mul3A_20, %add3A_16 : vector<512x256xf32>
    %select_n3A = arith.select %ge3A_18, %add3A_16, %mul3A_21 : vector<512x256xi1>, vector<512x256xf32>
    %get3A_22 = arith.constant 0 : index
    %get3A_23 = arith.constant 0 : index
    %get3A_24 = vector.load %arg3[%get3A_22, %get3A_23] : memref<8x256xf32, #tpu.memory_space<vmem>>, vector<8x256xf32>
    %dot_general3A = arith.constant dense<0.000000e+00> : vector<512x8xf32>
    %dot_general3A_25 = tpu.matmul %select_n3A, %get3A_24, %dot_general3A {dimension_numbers = #tpu.dot_dimension_numbers<[1], [1], [0], [0], [0, 0, 1, 0], [], []>, transpose_lhs_hint = false} : vector<512x256xf32>, vector<8x256xf32>, vector<512x8xf32> -> vector<512x8xf32>
    %get3A_26 = arith.constant 3 : index
    %get3A_27 = arith.constant 0 : index
    %get3A_28 = vector.load %arg2[%get3A_26, %get3A_27] : memref<8x256xf32, #tpu.memory_space<vmem>>, vector<1x1xf32>
    %get3A_29 = vector.extract %get3A_28[0, 0] : f32 from vector<1x1xf32>
    %add3A_30 = vector.broadcast %get3A_29 : f32 to vector<512x8xf32>
    %add3A_31 = arith.addf %dot_general3A_25, %add3A_30 : vector<512x8xf32>
    %swap3A = arith.constant 0 : index
    %swap3A_32 = arith.constant 0 : index
    %swap3A_33 = vector.load %arg4[%swap3A, %swap3A_32] : memref<512x8xf32, #tpu.memory_space<vmem>>, vector<512x8xf32>
    tpu.vector_store %arg4[%swap3A, %swap3A_32], %add3A_31 {strides = array<i32>} : memref<512x8xf32, #tpu.memory_space<vmem>>, vector<512x8xf32>,
    return
  }
  func.func @transform_0(%arg0: i32) -> (i32, i32) {
    %c0_i32 = arith.constant 0 : i32
    %c0_i32_0 = arith.constant 0 : i32
    return %arg0, %c0_i32 : i32, i32
  }
  func.func @transform_1(%arg0: i32) -> (i32, i32) {
    %c0_i32 = arith.constant 0 : i32
    %c0_i32_0 = arith.constant 0 : i32
    %c0_i32_1 = arith.constant 0 : i32
    return %c0_i32, %c0_i32_0 : i32, i32
  }
  func.func @transform_2(%arg0: i32) -> (i32, i32) {
    %c0_i32 = arith.constant 0 : i32
    %c0_i32_0 = arith.constant 0 : i32
    %c0_i32_1 = arith.constant 0 : i32
    return %c0_i32, %c0_i32_0 : i32, i32
  }
  func.func @transform_3(%arg0: i32) -> (i32, i32) {
    %c0_i32 = arith.constant 0 : i32
    %c0_i32_0 = arith.constant 0 : i32
    return %arg0, %c0_i32 : i32, i32
  }
}

</mosaic_0001>

<sc_bundles>
// kernel: kernel.14.cloned.1.call-start
scs
__scs_entry_jumppad:
0x0: {  	(pc) =	sbr.rel $0x88, $3  }
0x1: {  	(tag) =	ssettag $0x0;
	lr =	simm.s32 $0x1  }
0x2: {  	[smem:$0x3F7D] =	sst lr;
	_ =	strace $0xD0000000  }
0x3: {  	_ = 	snop  }
0x4: {  	_ = 	snop  }
0x5: {  	_ = 	snop  }
0x6: {  	_ = 	snop  }
0x7: {  	_ = 	snop  }
__scs_overlays_trampoline_lowered:
0x8: {  	[smem:$0x3F8C] =	sst s0  }
0x9: {  	[smem:$0x3F8D] =	sst s1  }
0xa: {  	[smem:$0x3F8E] =	sst s2  }
0xb: {  	[smem:$0x3F8F] =	sst s3  }
0xc: {  	[smem:$0x3F90] =	sst s4  }
0xd: {  	[smem:$0x3F91] =	sst s5  }
0xe: {  	[smem:$0x3F92] =	sst s6  }
0xf: {  	[smem:$0x3F93] =	sst s7  }
0x10: {  	[smem:$0x3F94] =	sst s8  }
0x11: {  	[smem:$0x3F95] =	sst s9;
	s0 =	simm.s32 @!p0 $0x0  }
0x12: {  	s1 =	sld [smem:$0x3F7B];
	s0 =	simm.s32 @p0 $0x1  }
0x13: {  	[smem:$0x3F96] =	sst s0;
	s0 =	simm.s32 @!p1 $0x0  }
0x14: {  	s2 =	sld [smem:$0x3F7A];
	s0 =	simm.s32 @p1 $0x1  }
0x15: {  	[smem:$0x3F97] =	sst s0;
	s0 =	simm.s32 @!p2 $0x0  }
0x16: {  	s3 =	sld [smem:$0x3FDB];
	s0 =	simm.s32 @p2 $0x1  }
0x17: {  	s4 =	simm.s32 $0x1BF5;
	[smem:$0x3F99] =	sst s0  }
0x18: {  	s0 =	sld [smem:$0x3F7C];
	_ =	swait.ge [sflag:s4], $0x0  }
0x19: {  	s7 =	sld [smem:$0x3F7D]  }
0x1a: {  	s8 =	sadd.s32 $0xFFFFE003, lr  }
0x1b: {  	s9 =	sadd.s32 $0xFFFFFEF7, lr;
	s5 =	simm.s32 $0xFFFFFFFF;
	p2 =	slt.u32 s8, $0xFFFFF086  }
0x1c: {  	p1 =	slt.u32 s9, $0xF7A;
	s5 =	simm.s32 @!p2 $0x0  }
0x1d: {  	s5 =	simm.s32 @p1 $0x1;
	p0 =	seq.s32 s7, s2  }
0x1e: {  	s7 =	smul.u32 @!p0 $0xF7A, s2;
	p2 =	seq.s32 @!p0 s5, $0x0  }
0x1f: {  	s9 =	smul.u32 $0xF7A, s1;
	s8 =	simm.s32 @!p0 $0x1BF5;
	p2 =	por !p2, p0  }
0x20: {  	[sflag:s8] =	ssyncset.s32 @!p0 $0xFFFFF086;
	s6 =	sadd.s32 @!p0 s3, s7;
	s7 =	simm.s32 @!p0 $0x108  }
0x21: {  	s3 =	sadd.s32 s3, s9;
	s6 =	sadd.s32 @!p0 $0x88, s6;
	s7 =	simm.s32 @p2 $0x1082  }
0x22: {  	[simem:s7], [sflag:s8] =	dma.local @!p0 [hbm:s6], $0xF7A  }
0x23: {  	s9 =	sor.u32 $0xD0000000, s2;
	s6 =	simm.s32 $0x108;
	_ =	swait.ge @!p0 [sflag:s8], $0x0  }
0x24: {  	s3 =	sadd.s32 $0x88, s3;
	s6 =	simm.s32 @!p1 $0x1082;
	[sflag:s4] =	ssyncset.s32 $0xFFFFF086  }
0x25: {  	[simem:s6], [sflag:s4] =	dma.local [hbm:s3], $0xF7A  }
0x26: {  	[smem:$0x3F7D] =	sst s1;
	(tag) =	ssettag s2;
	_ =	strace s9  }
0x27: {  	s1 =	sld [smem:$0x3F8D]  }
0x28: {  	s2 =	sld [smem:$0x3F8E]  }
0x29: {  	s4 =	sld [smem:$0x3F90]  }
0x2a: {  	p0 =	seq.s32 s5, $0x0;
	s5 =	sld [smem:$0x3F91]  }
0x2b: {  	s6 =	sld [smem:$0x3F92]  }
0x2c: {  	s7 =	sld [smem:$0x3F93]  }
0x2d: {  	s3 =	simm.s32 $0x108;
	s8 =	sld [smem:$0x3F94]  }
0x2e: {  	s3 =	simm.s32 @!p0 $0x1082;
	s9 =	sld [smem:$0x3F95]  }
0x2f: {  	lr =	sadd.s32 s0, s3;
	s0 =	sld [smem:$0x3F8C]  }
0x30: {  	s3 =	sld [smem:$0x3F8F]  }
0x31: {  	[smem:$0x3F98] =	sst s10  }
0x32: {  	s10 =	sld [smem:$0x3F96];
	_ =	sdelay $0x3  }
0x33: {  	p0 =	seq.s32 s10, $0x1;
	s10 =	sld [smem:$0x3F98];
	_ =	sdelay $0x3  }
0x34: {  	[smem:$0x3F98] =	sst s10  }
0x35: {  	s10 =	sld [smem:$0x3F97];
	_ =	sdelay $0x3  }
0x36: {  	p1 =	seq.s32 s10, $0x1;
	s10 =	sld [smem:$0x3F98];
	_ =	sdelay $0x3  }
0x37: {  	[smem:$0x3F98] =	sst s10  }
0x38: {  	s10 =	sld [smem:$0x3F99]  }
0x39: {  	_ = 	snop;
	(pc) =	sbr.ind lr, $3  }
0x3a: {  	_ = 	snop  }
0x3b: {  	_ = 	snop  }
0x3c: {  	p2 =	seq.s32 s10, $0x1;
	s10 =	sld [smem:$0x3F98]  }
0x3d: {  	_ =	shalt  }
0x3e: {  	_ =	shalt  }
0x3f: {  	_ =	shalt  }
0x40: {  	_ =	shalt  }
0x41: {  	_ =	shalt  }
0x42: {  	_ =	shalt  }
0x43: {  	_ =	shalt  }
0x44: {  	_ =	shalt  }
0x45: {  	_ =	shalt  }
0x46: {  	_ =	shalt  }
0x47: {  	_ =	shalt  }
0x48: {  	_ =	shalt  }
0x49: {  	_ =	shalt  }
0x4a: {  	_ =	shalt  }
0x4b: {  	_ =	shalt  }
0x4c: {  	_ =	shalt  }
0x4d: {  	_ =	shalt  }
0x4e: {  	_ =	shalt  }
0x4f: {  	_ =	shalt  }
0x50: {  	_ =	shalt  }
0x51: {  	_ =	shalt  }
0x52: {  	_ =	shalt  }
0x53: {  	_ =	shalt  }
0x54: {  	_ =	shalt  }
0x55: {  	_ =	shalt  }
0x56: {  	_ =	shalt  }
0x57: {  	_ =	shalt  }
0x58: {  	_ =	shalt  }
0x59: {  	_ =	shalt  }
0x5a: {  	_ =	shalt  }
0x5b: {  	_ =	shalt  }
0x5c: {  	_ =	shalt  }
0x5d: {  	_ =	shalt  }
0x5e: {  	_ =	shalt  }
0x5f: {  	_ =	shalt  }
0x60: {  	_ =	shalt  }
0x61: {  	_ =	shalt  }
0x62: {  	_ =	shalt  }
0x63: {  	_ =	shalt  }
0x64: {  	_ =	shalt  }
0x65: {  	_ =	shalt  }
0x66: {  	_ =	shalt  }
0x67: {  	_ =	shalt  }
0x68: {  	_ =	shalt  }
0x69: {  	_ =	shalt  }
0x6a: {  	_ =	shalt  }
0x6b: {  	_ =	shalt  }
0x6c: {  	_ =	shalt  }
0x6d: {  	_ =	shalt  }
0x6e: {  	_ =	shalt  }
0x6f: {  	_ =	shalt  }
0x70: {  	_ =	shalt  }
0x71: {  	_ =	shalt  }
0x72: {  	_ =	shalt  }
0x73: {  	_ =	shalt  }
0x74: {  	_ =	shalt  }
0x75: {  	_ =	shalt  }
0x76: {  	_ =	shalt  }
0x77: {  	_ =	shalt  }
0x78: {  	_ =	shalt  }
0x79: {  	_ =	shalt  }
0x7a: {  	_ =	shalt  }
0x7b: {  	_ =	shalt  }
0x7c: {  	_ =	shalt  }
0x7d: {  	_ =	shalt  }
0x7e: {  	_ =	shalt  }
0x7f: {  	_ =	shalt  }
0x80: {  	_ =	shalt  }
0x81: {  	_ =	shalt  }
0x82: {  	_ =	shalt  }
0x83: {  	_ =	shalt  }
0x84: {  	_ =	shalt  }
0x85: {  	_ =	shalt  }
0x86: {  	_ =	shalt  }
0x87: {  	_ =	shalt  }
.Lfunc_end0:
.L_simem_size_0:
called_computation_lowered:
.L_overlay_start_0:
0x88: {  	s2 =	sld [smem:$0x3FD9]  }
0x89: {  	s3 =	sld [smem:$0x3FFE];
	_ =	sdelay $0x1  }
0x8a: {  	s1 =	srdreg.scid  }
0x8b: {  	s0 =	sand.u32 $0x1, s1  }
0x8c: {  	s16 =	sshll.u32 s0, $0xA;
	s2 =	sadd.s32 s3, s2  }
0x8d: {  	s2 =	sadd.s32 s2, s16  }
0x8e: {  	[smem:$0x3FA4] =	sst s2  }
0x8f: {  	_ = 	snop  }
0x90: {  	(tm) =	ssettm $0x1  }
0x91: {  	s17 =	sld [smem:$0x3FFB];
	_ =	sdelay $0x3  }
0x92: {  	_ =	strace s17  }
0x93: {  	s2 =	sld [smem:$0x3FFC];
	_ =	sdelay $0x3  }
0x94: {  	_ =	strace s2  }
0x95: {  	s2 =	sld [smem:$0x3FFD];
	_ =	sdelay $0x3  }
0x96: {  	_ =	strace s2  }
0x97: {  	_ =	strace $0x8FFFFFFF  }
0x98: {  	s18 =	sld [smem:$0x3FDB];
	_ =	sdelay $0x1  }
0x99: {  	s19 =	simm.s32 $_scs_section_size  }
0x9a: {  	s4 =	simm.s32 $_size__tile_overlayer_lowered;
	s5 =	simm.s32 $_tile_overlayer_lowered  }
0x9b: {  	s22 =	simm.s32 $0x1BFF;
	s21 =	sshll.u32 s5, $0x1;
	s2 =	sadd.s32 s19, s18  }
0x9c: {  	s6 =	simm.s32 $0x0;
	s20 =	sshll.u32 s4, $0x1;
	s4 =	sadd.s32 s21, s2  }
0x9d: {  	[timem:s6], [sflag:s22] =	dma.local [hbm:s4], s20  }
0x9e: {  	_ =	swait.ge [sflag:s22], s20  }
0x9f: {  	s3 =	ssub.s32 $0x0, s20;
	[sflag:s22] =	ssyncset.done $0x0  }
0xa0: {  	[sflag:s22] =	ssyncadd.s32 s3;
	_ =	sdelay $0x1  }
0xa1: {  	s23 =	simm.s32 $0x1B8B  }
0xa2: {  	_ =	swait.ge [sflag:s23], $0x1  }
0xa3: {  	[sflag:s23] =	ssyncset.done $0x0  }
0xa4: {  	s25 =	simm.s32 $0x1B8E;
	s24 =	sld [smem:$0x3FFE];
	[sflag:s23] =	ssyncadd.s32 $0xFFFFFFFF  }
0xa5: {  	s26 =	simm.s32 $execute0_lowered;
	[smem:$0x3FD2] =	sst s25  }
0xa6: {  	s4 =	sshll.u32 s26, $0x1;
	_ =	strace $0x80000046;
	[dreg:$0x1] =	wrdreg $0xFFFFFFFF  }
0xa7: {  	s28 =	simm.s32 $_size_execute0_lowered;
	s2 =	sadd.s32 s2, s4;
	[dreg:$0x0] =	wrdreg $0x0  }
0xa8: {  	s4 =	sshll.u32 s28, $0x1;
	[dreg:$0x2] =	wrdreg s2  }
0xa9: {  	[dreg:$0x3] =	wrdreg s4  }
0xaa: {  	[dreg:$0x4] =	wrdreg $0xC0  }
0xab: {  	_ =	task [dreg:s6], $0x5FFFF  }
0xac: {  	[dreg:$0x1] =	wrdreg $0xFFFFFFFF  }
0xad: {  	[dreg:$0x0] =	wrdreg $0x60  }
0xae: {  	[dreg:$0x2] =	wrdreg s24  }
0xaf: {  	[dreg:$0x3] =	wrdreg $0x9  }
0xb0: {  	_ =	task.clear_ibuf [dreg:s6], $0x4FFFF;
	_ =	strace $0x90000046  }
0xb1: {  	s29 =	simm.s32 $0x9;
	_ =	strace $0x80000048  }
0xb2: {  	_ =	swait.ge [sflag:s29], $0x1  }
0xb3: {  	[sflag:s29] =	ssyncadd.s32 $0xFFFFFFFF  }
0xb4: {  	_ =	strace $0x90000048  }
0xb5: {  	_ =	sfence  }
0xb6: {  	s30 =	sld [smem:$0x0];
	_ =	sdelay $0x2  }
0xb7: {  	s31 =	sshll.u32 s1, $0xD;
	s1 =	sshrl.u32 s1, $0x2  }
0xb8: {  	s3 =	sand.u32 $0x4000, s31;
	s1 =	sadd.s32 s1, s30  }
0xb9: {  	s0 =	sor.u32 s3, s0;
	s1 =	sshll.u32 s1, $0x11  }
0xba: {  	s0 =	sor.u32 s1, s0  }
0xbb: {  	s0 =	sadd.s32 $0x8F2B, s0  }
0xbc: {  	[sflag:s0] =	ssyncadd.remote.s32 $0x1  }
0xbd: {  	_ =	sfence.sel $0xFFFF  }
0xbe: {  	[dreg:$0x0] =	wrdreg $0xFFFFFFFF;
	(pc) =	sbr.abs _section_cstart, $3  }
0xbf: {  	[dreg:$0x1] =	wrdreg $0xFFFFFFFF  }
0xc0: {  	_ =	task.clear_ibuf [dreg:s6], $0x2FFFF;
	_ =	strace $0x9FFFFFFF  }
0xc1: {  	(tm) =	ssettm $0x7FFFFFFF  }
tec
execute0_lowered:
.L_overlay_start_1:
0x0: {  	(tag) =	ssettag $0x1  }
0x1: {  	s1 =	srdreg.scid;
	s0 =	stileid.u32  }
0x2: {  	s3 =	sand.u32 $0x1, s1;
	s23 =	sshll.u32 s0, $0x1;
	s24 =	smul.u32 $0x12C, s0  }
0x3: {  	v0 =	vimm.s32 $0xECA86420;
	s2 =	sor.u32 s3, s23;
	s8 =	smul.u32 $0x96, s3  }
0x4: {  	s4 =	rddreg [dreg:$0x0];
	v1 =	vimm.f32 $0.0e+00;
	vm1 =	vcmask $0xB08;
	vm2 =	vcmask $0x1310;
	s1 =	simm.s32 $0x0;
	s5 =	smul.u32 $0x96, s2  }
0x5: {  	vm10 =	vcmask $0x1B18;
	vm3 =	vcmask $0x300;
	vm5 =	vcmask $0x2320;
	[smem:$0x7FF] =	sst s1;
	s3 =	ssub.s32 $0x2, s3;
	s6 =	smul.u32 $0x12C0, s2  }
0x6: {  	vm6 =	vcmask $0x2B28;
	vm7 =	vcmask $0x3330;
	vm8 =	vcmask $0x3B38;
	_ =	strace $0x80000047;
	s25 =	sshrl.u32 s3, $0x1;
	s7 =	smax.u32 s5, $0x18  }
0x7: {  	v3 =	vlaneseq.u32;
	vm9 =	vmmov $0xff;
	vm13 =	vmmov $0x1;
	s26 =	ssub.s32 s3, s25;
	s6 =	sadd.s32 s6, s4;
	s7 =	smin.u32 s7, $0xF6A  }
0x8: {  	v5 =	vimm.s32 $0x0;
	v2 =	vunpack.c.l.s4.s8 v0;
	v0 =	vmov s5;
	s5 =	sadd.s32 s8, s24;
	s31 =	smax.u32 s26, $0x1;
	s7 =	smul.u32 $0xC, s7  }
0x9: {  	vm4 =	vcmask $0x704;
	vm0 =	vcmask $0xF0C;
	v5 =	vsel vm13, $0xFFFFFFFF, v5;
	s5 =	smax.u32 s5, $0x18;
	s30 =	sadd.s32 $0x11A00, s6;
	[dreg:$0x5] =	wrdreg s31  }
0xa: {  	vm11 =	vcmask $0x1714;
	vm12 =	vcmask $0x1F1C;
	[tilespmem:$0x1FFE0] =	vst v5;
	v5 =	vimm.s32 $0x0;
	s29 =	smin.u32 s5, $0xF6A;
	[dreg:$0x4] =	wrdreg s30;
	s4 =	sadd.s32 s4, s7  }
0xb: {  	vm14 =	vcmask $0x2F2C;
	vm15 =	vcmask $0x3734;
	s2 =	simm.s32 $0x1;
	v5 =	vsel vm9, $0xFFFFFFFF, v5;
	[dreg:$0x2] =	wrdreg s29;
	s28 =	sadd.s32 $0x58E0, s4  }
0xc: {  	v4 =	vimm.f32 $1.000000000e+00;
	v3 =	vmul.u32 $0x2, v3;
	v2 =	vunpack.c.0.s8.s32 v2;
	s3 =	simm.s32 $0x0;
	[tilespmem:$0x1FFF0] =	vst v5;
	s7 =	simm.s32 $0x4180;
	[dreg:$0x3] =	wrdreg s28  }
.LBB2_1:
0xd: {  	[dreg:$0x6] =	wrdreg s3  }
0xe: {  	s0 =	rddreg [dreg:$0x3]  }
0xf: {  	[tilespmem:s1], [sflag:$0x1] =	stream.linear.gather [hbm4b:s0+s1], $0x4140, $0x38;
	[tilespmem:$0xD780] =	vst v63  }
0x10: {  	_ =	swait.ge [sflag:s2], $0x4140  }
0x11: {  	[sflag:s2] =	ssyncset.done $0x0  }
0x12: {  	s9 =	simm.s32 $0x0;
	[sflag:s2] =	ssyncadd.s32 $0xFFFFBEC0  }
.LBB2_2:
0x13: {  	p0 =	sne.s32 s9, $0x257C0  }
.Ltmp0:
0x14: {  	_ = 	snop;
	(pc) =	sbr.rel @p0 .LBB2_2-.Ltmp0, $3  }
0x15: {  	_ =	sdelay $0x1  }
0x16: {  	s10 =	sshra.s32 s9, $0x2  }
0x17: {  	s9 =	sadd.s32 $0x40, s9;
	[tilespmem:s10+$0x4180] =	vst v1  }
0x18: {  	s9 =	simm.s32 $0xFFFFFFE8;
	s10 =	simm.s32 $0x30  }
.LBB2_4:
0x19: {  	v5 =	vld [tilespmem:s10+$0x0];
	_ =	sdelay $0x2  }
0x1a: {  	s11 =	rddreg [dreg:$0x2]  }
0x1b: {  	s11 =	sadd.s32 s9, s11  }
0x1c: {  	v6 =	vadd.s32 s11, v5  }
0x1d: {  	(v2sf) =	vpush v6, $0xD;
	_ =	sdelay $0x1  }
0x1e: {  	(v2sf) =	vpush v6, $0xC;
	_ =	sdelay $0x1  }
0x1f: {  	(v2sf) =	vpush v6, $0xE;
	_ =	sdelay $0x1  }
0x20: {  	(v2sf) =	vpush v6, $0xF;
	_ =	sdelay $0x1  }
0x21: {  	(v2sf) =	vpush v6, $0x9;
	_ =	sdelay $0x1  }
0x22: {  	(v2sf) =	vpush v6, $0x8;
	_ =	sdelay $0x1  }
0x23: {  	(v2sf) =	vpush v6, $0xA;
	_ =	sdelay $0x1  }
0x24: {  	(v2sf) =	vpush v6, $0xB  }
0x25: {  	s12 =	spop (v2sf)  }
0x26: {  	s13 =	smulhi.u32 $0x51EB851F, s12;
	s12 =	sshra.s32 s12, $0x1F  }
0x27: {  	(v2sf) =	vpush v6, $0x0;
	s14 =	spop (v2sf);
	s12 =	smul.u32 $0x51EB851F, s12  }
0x28: {  	(v2sf) =	vpush v6, $0x1;
	s15 =	smulhi.u32 $0x51EB851F, s14;
	s14 =	sshra.s32 s14, $0x1F  }
0x29: {  	s16 =	spop (v2sf);
	(v2sf) =	vpush v6, $0x2;
	s14 =	smul.u32 $0x51EB851F, s14  }
0x2a: {  	s17 =	smulhi.u32 $0x51EB851F, s16;
	s16 =	sshra.s32 s16, $0x1F;
	(v2sf) =	vpush v6, $0x3  }
0x2b: {  	s18 =	spop (v2sf);
	s16 =	smul.u32 $0x51EB851F, s16;
	(v2sf) =	vpush v6, $0x4  }
0x2c: {  	s19 =	smulhi.u32 $0x51EB851F, s18;
	s18 =	sshra.s32 s18, $0x1F;
	(v2sf) =	vpush v6, $0x5  }
0x2d: {  	s20 =	spop (v2sf);
	s18 =	smul.u32 $0x51EB851F, s18;
	(v2sf) =	vpush v6, $0x6  }
0x2e: {  	s22 =	smulhi.u32 $0x51EB851F, s20;
	s20 =	sshra.s32 s20, $0x1F;
	(v2sf) =	vpush v6, $0x7  }
0x2f: {  	s0 =	spop (v2sf);
	s20 =	smul.u32 $0x51EB851F, s20  }
0x30: {  	s12 =	sadd.s32 s12, s13;
	s23 =	smulhi.u32 $0x51EB851F, s0;
	s13 =	sshra.s32 s0, $0x1F  }
0x31: {  	s15 =	sadd.s32 s14, s15;
	s1 =	spop (v2sf);
	s24 =	smul.u32 $0x51EB851F, s13  }
0x32: {  	s21 =	sshrl.u32 s12, $0x1F;
	s25 =	sshrl.u32 s15, $0x1F;
	s26 =	smulhi.u32 $0x51EB851F, s1  }
0x33: {  	s2 =	sshra.s32 s1, $0x1F;
	s13 =	sadd.s32 s16, s17;
	s4 =	spop (v2sf)  }
0x34: {  	s14 =	sadd.s32 s18, s19;
	s3 =	smul.u32 $0x51EB851F, s2;
	s28 =	sshrl.u32 s13, $0x1F  }
0x35: {  	s29 =	smulhi.u32 $0x51EB851F, s4;
	s5 =	sshra.s32 s4, $0x1F;
	s30 =	sshrl.u32 s14, $0x1F  }
0x36: {  	s16 =	sadd.s32 s20, s22;
	s18 =	smul.u32 $0x51EB851F, s5;
	s6 =	spop (v2sf)  }
0x37: {  	s19 =	smulhi.u32 $0x51EB851F, s6;
	s31 =	sshra.s32 s6, $0x1F;
	s4 =	spop (v2sf)  }
0x38: {  	s20 =	sadd.s32 s24, s23;
	s8 =	smul.u32 $0x51EB851F, s31;
	s0 =	spop (v2sf)  }
0x39: {  	s31 =	smulhi.u32 $0x51EB851F, s4;
	s1 =	sshra.s32 s4, $0x1F;
	s5 =	spop (v2sf)  }
0x3a: {  	s17 =	sadd.s32 s3, s26;
	s1 =	smul.u32 $0x51EB851F, s1;
	s2 =	spop (v2sf)  }
0x3b: {  	v8 =	vmov s25;
	s24 =	smulhi.u32 $0x51EB851F, s0;
	s0 =	sshra.s32 s0, $0x1F;
	s26 =	spop (v2sf)  }
0x3c: {  	v8 =	vsel vm1, s21, v8;
	s21 =	sshra.s32 s12, $0x6;
	s0 =	smul.u32 $0x51EB851F, s0;
	s4 =	spop (v2sf)  }
0x3d: {  	s18 =	sadd.s32 s18, s29;
	s3 =	smulhi.u32 $0x51EB851F, s5;
	s6 =	spop (v2sf)  }
0x3e: {  	s22 =	sadd.s32 s8, s19;
	s8 =	smulhi.u32 $0x51EB851F, s6;
	s29 =	sshra.s32 s6, $0x1F  }
0x3f: {  	s23 =	sshra.s32 s5, $0x1F;
	s5 =	sshrl.u32 s16, $0x1F;
	s29 =	smul.u32 $0x51EB851F, s29  }
0x40: {  	s23 =	smul.u32 $0x51EB851F, s23;
	s1 =	sadd.s32 s1, s31;
	s31 =	sshrl.u32 s20, $0x1F  }
0x41: {  	s0 =	sadd.s32 s0, s24;
	s24 =	sshrl.u32 s17, $0x1F;
	s19 =	sadd.s32 s29, s8  }
0x42: {  	s3 =	sadd.s32 s23, s3;
	s23 =	sshrl.u32 s18, $0x1F;
	s6 =	sshra.s32 s19, $0x1F  }
0x43: {  	s25 =	sshrl.u32 s0, $0x1F;
	s29 =	smulhi.u32 $0x51EB851F, s2;
	s8 =	sshra.s32 s22, $0x6;
	v7 =	vmov s6  }
0x44: {  	s2 =	sshra.s32 s2, $0x1F;
	s6 =	sshrl.u32 s22, $0x1F;
	v7 =	vsel vm3, s8, v7;
	s8 =	sshra.s32 s22, $0x1F  }
0x45: {  	v8 =	vsel vm2, s28, v8;
	v9 =	vmov s6;
	s6 =	smulhi.u32 $0x51EB851F, s26;
	v7 =	vsel vm4, s8, v7;
	s8 =	sshra.s32 s26, $0x1F;
	s26 =	sshra.s32 s1, $0x6  }
0x46: {  	v8 =	vsel vm10, s30, v8;
	v10 =	vmov s31;
	s2 =	smul.u32 $0x51EB851F, s2;
	s22 =	sshrl.u32 s1, $0x1F;
	s1 =	sshra.s32 s1, $0x1F;
	v7 =	vsel vm1, s26, v7  }
0x47: {  	s30 =	sshra.s32 s0, $0x6;
	s0 =	sshra.s32 s0, $0x1F;
	v10 =	vsel vm1, s5, v10;
	s28 =	sshrl.u32 s3, $0x1F;
	v9 =	vnsel vm3, $0x0, v9;
	v7 =	vsel vm0, s1, v7  }
0x48: {  	v10 =	vsel vm2, s24, v10;
	s31 =	sshra.s32 s3, $0x1F;
	s2 =	sadd.s32 s2, s29;
	s8 =	smul.u32 $0x51EB851F, s8;
	v9 =	vsel vm1, s22, v9;
	v7 =	vsel vm2, s30, v7  }
0x49: {  	v10 =	vsel vm10, s23, v10;
	s29 =	sshra.s32 s3, $0x6;
	s22 =	smulhi.u32 $0x51EB851F, s4;
	s4 =	sshra.s32 s4, $0x1F;
	v9 =	vsel vm2, s25, v9;
	v7 =	vsel vm11, s0, v7  }
0x4a: {  	v8 =	vcombine.low v10, v8;
	s26 =	sshrl.u32 s2, $0x1F;
	s4 =	smul.u32 $0x51EB851F, s4;
	v9 =	vsel vm10, s28, v9;
	s28 =	sadd.s32 s8, s6;
	v7 =	vsel vm10, s29, v7  }
0x4b: {  	vm3 =	vcmask $0x2724;
	s6 =	sshra.s32 s2, $0x6;
	s8 =	sshra.s32 s15, $0x6;
	s15 =	sshra.s32 s20, $0x6;
	v9 =	vsel vm5, s26, v9;
	v7 =	vsel vm12, s31, v7  }
0x4c: {  	s20 =	sshra.s32 s2, $0x1F;
	s30 =	sshrl.u32 s28, $0x1F;
	s4 =	sadd.s32 s4, s22;
	v44 =	vmov s8;
	v11 =	vmov s15;
	v7 =	vsel vm5, s6, v7  }
0x4d: {  	s22 =	sshra.s32 s16, $0x6;
	s23 =	sshra.s32 s28, $0x6;
	v9 =	vsel vm6, s30, v9;
	s3 =	sshrl.u32 s4, $0x1F;
	v10 =	vsel vm1, s21, v44;
	v7 =	vsel vm3, s20, v7  }
0x4e: {  	s24 =	sshra.s32 s13, $0x6;
	s25 =	sshra.s32 s17, $0x6;
	s26 =	sshra.s32 s28, $0x1F;
	v11 =	vsel vm1, s22, v11;
	v9 =	vsel vm7, s3, v9;
	v7 =	vsel vm6, s23, v7  }
0x4f: {  	s28 =	sshra.s32 s14, $0x6;
	s29 =	sshra.s32 s18, $0x6;
	s30 =	sshra.s32 s4, $0x6;
	v10 =	vsel vm2, s24, v10;
	v11 =	vsel vm2, s25, v11;
	v7 =	vsel vm14, s26, v7  }
0x50: {  	s2 =	sshra.s32 s4, $0x1F;
	s31 =	sshrl.u32 s19, $0x1F;
	v10 =	vsel vm10, s28, v10;
	v11 =	vsel vm10, s29, v11;
	v7 =	vsel vm7, s30, v7  }
0x51: {  	s3 =	sshra.s32 s19, $0x6;
	v9 =	vsel vm8, s31, v9;
	v10 =	vcombine.low v11, v10;
	v7 =	vsel vm15, s2, v7  }
0x52: {  	v8 =	vperm.xlane v8, v2;
	v9 =	vperm.xlane v9, v3;
	v7 =	vsel vm8, s3, v7  }
0x53: {  	v10 =	vperm.xlane v10, v2;
	v7 =	vperm.xlane v7, v3  }
0x54: {  	v45 =	vld [tilespmem:s10+$0xFFFFFFD0]  }
0x55: {  	v8 =	vsel vm9, v9, v8;
	v7 =	vsel vm9, v7, v10  }
0x56: {  	v7 =	vadd.s32 v8, v7  }
0x57: {  	v7 =	vmul.u32 $0xC8, v7;
	_ =	sdelay $0x1  }
0x58: {  	v5 =	vsub.s32 v45, v5;
	v46 =	vsub.s32 v6, v0;
	v6 =	vsub.s32 v6, v7  }
0x59: {  	v5 =	vadd.s32 v6, v5;
	v6 =	vld [tilespmem:$0x1FFE0];
	_ =	sdelay $0x3  }
0x5a: {  	vm0 =	vmmov vm10;
	v7 =	vshll.u32 v46, $0x8  }
0x5b: {  	vm9 =	vlt.u32 v46, $0x96;
	v5 =	vadd.s32 v7, v5;
	vm4 =	vnez.u8 v6  }
0x5c: {  	vm11 =	vcmask $0x704;
	v5 =	vadd.s32 $0x18, v5;
	vm10 =	vmand vm9, vm4  }
0x5d: {  	vm11 =	vmand vm9, vm11;
	v5 =	vnsel vm9, $0x0, v5;
	_ =	sdelay $0x1  }
0x5e: {  	vm13 =	vcmask $0xF0C;
	vm12 =	vmand vm9, vm1  }
0x5f: {  	vm13 =	vmand vm9, vm13  }
0x60: {  	vm15 =	vcmask $0x1714;
	vm4 =	vmmov vm14;
	vm14 =	vmand vm9, vm2  }
0x61: {  	vm15 =	vmand vm9, vm15;
	[tilespmem:v5+s7+$0x0] =	vst.idx.add.f32.msk vm10, v4  }
0x62: {  	vm10 =	vmand vm9, vm0;
	[tilespmem:v5+s7+$0x0] =	vst.idx.add.f32.msk vm11, v4;
	vm11 =	vcmask $0x1F1C  }
0x63: {  	vm11 =	vmand vm9, vm11  }
0x64: {  	[tilespmem:v5+s7+$0x0] =	vst.idx.add.f32.msk vm12, v4;
	vm12 =	vmand vm9, vm5  }
0x65: {  	[tilespmem:v5+s7+$0x0] =	vst.idx.add.f32.msk vm13, v4;
	vm13 =	vmand vm9, vm3  }
0x66: {  	[tilespmem:v5+s7+$0x0] =	vst.idx.add.f32.msk vm14, v4  }
0x67: {  	vm14 =	vmand vm9, vm6;
	[tilespmem:v5+s7+$0x0] =	vst.idx.add.f32.msk vm15, v4  }
0x68: {  	vm15 =	vmand vm9, vm4;
	[tilespmem:v5+s7+$0x0] =	vst.idx.add.f32.msk vm10, v4  }
0x69: {  	vm10 =	vmand vm9, vm7;
	[tilespmem:v5+s7+$0x0] =	vst.idx.add.f32.msk vm11, v4;
	vm11 =	vcmask $0x3734  }
0x6a: {  	vm11 =	vmand vm9, vm11;
	[tilespmem:v5+s7+$0x0] =	vst.idx.add.f32.msk vm12, v4  }
0x6b: {  	vm12 =	vmand vm9, vm8;
	[tilespmem:v5+s7+$0x0] =	vst.idx.add.f32.msk vm13, v4;
	vm13 =	vcmask $0x3F3C  }
0x6c: {  	vm9 =	vmand vm9, vm13  }
0x6d: {  	[tilespmem:v5+s7+$0x0] =	vst.idx.add.f32.msk vm14, v4  }
0x6e: {  	[tilespmem:v5+s7+$0x0] =	vst.idx.add.f32.msk vm15, v4  }
0x6f: {  	[tilespmem:v5+s7+$0x0] =	vst.idx.add.f32.msk vm10, v4  }
0x70: {  	[tilespmem:v5+s7+$0x0] =	vst.idx.add.f32.msk vm11, v4  }
0x71: {  	[tilespmem:v5+s7+$0x0] =	vst.idx.add.f32.msk vm12, v4  }
0x72: {  	[tilespmem:v5+s7+$0x0] =	vst.idx.add.f32.msk vm9, v4  }
0x73: {  	v5 =	vld [tilespmem:s10+$0x10];
	_ =	sdelay $0x4  }
0x74: {  	v6 =	vadd.s32 s11, v5  }
0x75: {  	(v2sf) =	vpush v6, $0xD;
	_ =	sdelay $0x1  }
0x76: {  	(v2sf) =	vpush v6, $0xC;
	_ =	sdelay $0x1  }
0x77: {  	(v2sf) =	vpush v6, $0xE;
	_ =	sdelay $0x1  }
0x78: {  	(v2sf) =	vpush v6, $0xF;
	_ =	sdelay $0x1  }
0x79: {  	(v2sf) =	vpush v6, $0x9;
	_ =	sdelay $0x1  }
0x7a: {  	(v2sf) =	vpush v6, $0x8;
	_ =	sdelay $0x1  }
0x7b: {  	(v2sf) =	vpush v6, $0xA;
	_ =	sdelay $0x1  }
0x7c: {  	(v2sf) =	vpush v6, $0xB  }
0x7d: {  	s4 =	spop (v2sf)  }
0x7e: {  	(v2sf) =	vpush v6, $0x0;
	s5 =	smulhi.u32 $0x51EB851F, s4;
	s0 =	sshra.s32 s4, $0x1F  }
0x7f: {  	s6 =	spop (v2sf);
	s0 =	smul.u32 $0x51EB851F, s0  }
0x80: {  	(v2sf) =	vpush v6, $0x1;
	s8 =	smulhi.u32 $0x51EB851F, s6;
	s2 =	sshra.s32 s6, $0x1F  }
0x81: {  	(v2sf) =	vpush v6, $0x2;
	s13 =	spop (v2sf);
	s2 =	smul.u32 $0x51EB851F, s2  }
0x82: {  	(v2sf) =	vpush v6, $0x3;
	s14 =	smulhi.u32 $0x51EB851F, s13;
	s4 =	sshra.s32 s13, $0x1F  }
0x83: {  	(v2sf) =	vpush v6, $0x4;
	s16 =	spop (v2sf);
	s4 =	smul.u32 $0x51EB851F, s4  }
0x84: {  	(v2sf) =	vpush v6, $0x5;
	s17 =	smulhi.u32 $0x51EB851F, s16;
	s6 =	sshra.s32 s16, $0x1F  }
0x85: {  	s19 =	spop (v2sf);
	(v2sf) =	vpush v6, $0x6;
	s6 =	smul.u32 $0x51EB851F, s6  }
0x86: {  	s20 =	smulhi.u32 $0x51EB851F, s19;
	s22 =	sshra.s32 s19, $0x1F;
	(v2sf) =	vpush v6, $0x7  }
0x87: {  	s12 =	sadd.s32 s0, s5;
	s24 =	spop (v2sf);
	s23 =	smul.u32 $0x51EB851F, s22  }
0x88: {  	s21 =	sshrl.u32 s12, $0x1F;
	s25 =	smulhi.u32 $0x51EB851F, s24;
	s1 =	sshra.s32 s24, $0x1F  }
0x89: {  	s15 =	sadd.s32 s2, s8;
	s18 =	spop (v2sf);
	s1 =	smul.u32 $0x51EB851F, s1  }
0x8a: {  	s3 =	sshrl.u32 s15, $0x1F;
	s19 =	smulhi.u32 $0x51EB851F, s18;
	s2 =	sshra.s32 s18, $0x1F  }
0x8b: {  	s13 =	sadd.s32 s4, s14;
	s30 =	spop (v2sf);
	s2 =	smul.u32 $0x51EB851F, s2  }
0x8c: {  	s15 =	sshra.s32 s15, $0x6;
	s31 =	smulhi.u32 $0x51EB851F, s30;
	s4 =	sshra.s32 s30, $0x1F  }
0x8d: {  	s5 =	sshrl.u32 s13, $0x1F;
	s26 =	spop (v2sf);
	s4 =	smul.u32 $0x51EB851F, s4  }
0x8e: {  	s14 =	sadd.s32 s6, s17;
	s22 =	smulhi.u32 $0x51EB851F, s26;
	s6 =	sshra.s32 s26, $0x1F  }
0x8f: {  	s16 =	sadd.s32 s23, s20;
	s28 =	spop (v2sf);
	s0 =	smul.u32 $0x51EB851F, s6  }
0x90: {  	s23 =	smulhi.u32 $0x51EB851F, s28;
	s6 =	sshra.s32 s28, $0x1F;
	s29 =	spop (v2sf)  }
0x91: {  	s20 =	sadd.s32 s1, s25;
	s1 =	smul.u32 $0x51EB851F, s6;
	s30 =	spop (v2sf)  }
0x92: {  	s25 =	smulhi.u32 $0x51EB851F, s29;
	s24 =	sshra.s32 s29, $0x1F;
	s26 =	spop (v2sf)  }
0x93: {  	s17 =	sadd.s32 s2, s19;
	s2 =	smul.u32 $0x51EB851F, s24;
	s24 =	spop (v2sf)  }
0x94: {  	s28 =	smulhi.u32 $0x51EB851F, s30;
	s6 =	sshra.s32 s30, $0x1F;
	s29 =	spop (v2sf)  }
0x95: {  	s18 =	sadd.s32 s4, s31;
	s31 =	smul.u32 $0x51EB851F, s6;
	s19 =	spop (v2sf)  }
0x96: {  	s8 =	sshrl.u32 s14, $0x1F;
	s30 =	smulhi.u32 $0x51EB851F, s19;
	s6 =	sshra.s32 s19, $0x1F  }
0x97: {  	s0 =	sadd.s32 s0, s22;
	s22 =	sshrl.u32 s16, $0x1F;
	s6 =	smul.u32 $0x51EB851F, s6  }
0x98: {  	s1 =	sadd.s32 s1, s23;
	s23 =	sshrl.u32 s20, $0x1F;
	s20 =	sshra.s32 s20, $0x6  }
0x99: {  	v47 =	vmov s3;
	s3 =	sshrl.u32 s1, $0x1F;
	v49 =	vmov s23;
	s23 =	sshra.s32 s16, $0x6;
	s19 =	sadd.s32 s6, s30  }
0x9a: {  	vm9 =	vcmask $0x300;
	v10 =	vsel vm1, s22, v49;
	s22 =	sshra.s32 s12, $0x6;
	s4 =	sadd.s32 s31, s28;
	s31 =	sshra.s32 s19, $0x1F  }
0x9b: {  	v50 =	vmov s15;
	v8 =	vsel vm1, s21, v47;
	s2 =	sadd.s32 s2, s25;
	s6 =	smulhi.u32 $0x51EB851F, s26;
	v7 =	vmov s31;
	s31 =	sshra.s32 s0, $0x6  }
0x9c: {  	v8 =	vsel vm2, s5, v8;
	s26 =	sshra.s32 s26, $0x1F;
	s30 =	sshrl.u32 s0, $0x1F;
	s0 =	sshra.s32 s0, $0x1F;
	v7 =	vsel vm9, s31, v7;
	vm9 =	vcmask $0x704  }
0x9d: {  	s21 =	sshra.s32 s24, $0x1F;
	s26 =	smul.u32 $0x51EB851F, s26;
	v48 =	vmov s30;
	s30 =	sshra.s32 s1, $0x6;
	v7 =	vsel vm9, s0, v7;
	vm9 =	vcmask $0x300  }
0x9e: {  	s25 =	sshrl.u32 s17, $0x1F;
	s21 =	smul.u32 $0x51EB851F, s21;
	s1 =	sshra.s32 s1, $0x1F;
	v9 =	vnsel vm9, $0x0, v48;
	v7 =	vsel vm1, s30, v7;
	vm9 =	vcmask $0xF0C  }
0x9f: {  	v8 =	vsel vm0, s8, v8;
	v51 =	vmov s20;
	s6 =	sadd.s32 s26, s6;
	s0 =	smulhi.u32 $0x51EB851F, s24;
	s24 =	sshra.s32 s2, $0x6;
	v7 =	vsel vm9, s1, v7  }
0xa0: {  	s26 =	sshra.s32 s2, $0x1F;
	s30 =	sshra.s32 s29, $0x1F;
	v9 =	vsel vm1, s3, v9;
	s3 =	smulhi.u32 $0x51EB851F, s29;
	vm9 =	vcmask $0x1714;
	v7 =	vsel vm2, s24, v7  }
0xa1: {  	v11 =	vsel vm1, s23, v51;
	s28 =	sshrl.u32 s18, $0x1F;
	v10 =	vsel vm2, s25, v10;
	s8 =	smul.u32 $0x51EB851F, s30;
	s30 =	sshra.s32 s4, $0x6;
	v7 =	vsel vm9, s26, v7  }
0xa2: {  	s25 =	sshra.s32 s13, $0x6;
	s5 =	sshrl.u32 s4, $0x1F;
	v10 =	vsel vm0, s28, v10;
	s4 =	sshra.s32 s4, $0x1F;
	vm9 =	vcmask $0x1F1C;
	v7 =	vsel vm0, s30, v7  }
0xa3: {  	v8 =	vcombine.low v10, v8;
	v10 =	vsel vm1, s22, v50;
	s31 =	sshrl.u32 s2, $0x1F;
	s3 =	sadd.s32 s8, s3;
	s8 =	sshra.s32 s6, $0x6;
	v7 =	vsel vm9, s4, v7  }
0xa4: {  	s28 =	sshra.s32 s14, $0x6;
	v10 =	vsel vm2, s25, v10;
	s0 =	sadd.s32 s21, s0;
	s21 =	sshra.s32 s6, $0x1F;
	v9 =	vsel vm2, s31, v9;
	v7 =	vsel vm5, s8, v7  }
0xa5: {  	v10 =	vsel vm0, s28, v10;
	s29 =	sshrl.u32 s6, $0x1F;
	s24 =	sshra.s32 s0, $0x6;
	v9 =	vsel vm0, s5, v9;
	s26 =	sshra.s32 s17, $0x6;
	v7 =	vsel vm3, s21, v7  }
0xa6: {  	v12 =	vld [tilespmem:$0x1FFF0];
	s31 =	sshrl.u32 s0, $0x1F;
	s0 =	sshra.s32 s0, $0x1F;
	v9 =	vsel vm5, s29, v9;
	v11 =	vsel vm2, s26, v11;
	s29 =	sshra.s32 s18, $0x6;
	v7 =	vsel vm6, s24, v7  }
0xa7: {  	v53 =	vld [tilespmem:$0x1FFF0];
	s5 =	sshrl.u32 s3, $0x1F;
	s30 =	sshra.s32 s3, $0x6;
	v9 =	vsel vm6, s31, v9;
	v11 =	vsel vm0, s29, v11;
	v7 =	vsel vm4, s0, v7  }
0xa8: {  	s31 =	sshrl.u32 s19, $0x1F;
	vm9 =	vcmask $0x3734;
	v9 =	vsel vm7, s5, v9;
	s5 =	sshra.s32 s3, $0x1F;
	v7 =	vsel vm7, s30, v7  }
0xa9: {  	s6 =	sshra.s32 s19, $0x6;
	v10 =	vcombine.low v11, v10;
	v9 =	vsel vm8, s31, v9;
	v7 =	vsel vm9, s5, v7  }
0xaa: {  	v8 =	vperm.xlane v8, v2;
	v9 =	vperm.xlane v9, v3;
	v7 =	vsel vm8, s6, v7  }
0xab: {  	v10 =	vperm.xlane v10, v2;
	vm9 =	vnez.u8 v12;
	v7 =	vperm.xlane v7, v3  }
0xac: {  	v52 =	vld [tilespmem:s10+$0xFFFFFFE0];
	v8 =	vsel vm9, v9, v8;
	vm9 =	vnez.u8 v53  }
0xad: {  	v7 =	vsel vm9, v7, v10  }
0xae: {  	v7 =	vadd.s32 v8, v7  }
0xaf: {  	v7 =	vmul.u32 $0xC8, v7;
	_ =	sdelay $0x1  }
0xb0: {  	v5 =	vsub.s32 v52, v5;
	v54 =	vsub.s32 v6, v0;
	v6 =	vsub.s32 v6, v7  }
0xb1: {  	v5 =	vadd.s32 v6, v5;
	v6 =	vld [tilespmem:$0x1FFE0];
	_ =	sdelay $0x3  }
0xb2: {  	v7 =	vshll.u32 v54, $0x8  }
0xb3: {  	vm9 =	vlt.u32 v54, $0x96;
	v5 =	vadd.s32 v7, v5;
	vm10 =	vnez.u8 v6  }
0xb4: {  	vm11 =	vcmask $0x704;
	v5 =	vadd.s32 $0x18, v5;
	vm10 =	vmand vm9, vm10  }
0xb5: {  	vm11 =	vmand vm9, vm11;
	v5 =	vnsel vm9, $0x0, v5;
	_ =	sdelay $0x1  }
0xb6: {  	vm13 =	vcmask $0xF0C;
	vm12 =	vmand vm9, vm1  }
0xb7: {  	vm13 =	vmand vm9, vm13  }
0xb8: {  	vm15 =	vcmask $0x1714;
	vm14 =	vmand vm9, vm2  }
0xb9: {  	vm15 =	vmand vm9, vm15;
	[tilespmem:v5+s7+$0x0] =	vst.idx.add.f32.msk vm10, v4  }
0xba: {  	vm10 =	vmand vm9, vm0;
	[tilespmem:v5+s7+$0x0] =	vst.idx.add.f32.msk vm11, v4;
	vm11 =	vcmask $0x1F1C  }
0xbb: {  	vm11 =	vmand vm9, vm11  }
0xbc: {  	[tilespmem:v5+s7+$0x0] =	vst.idx.add.f32.msk vm12, v4;
	vm12 =	vmand vm9, vm5  }
0xbd: {  	[tilespmem:v5+s7+$0x0] =	vst.idx.add.f32.msk vm13, v4;
	vm13 =	vmand vm9, vm3  }
0xbe: {  	[tilespmem:v5+s7+$0x0] =	vst.idx.add.f32.msk vm14, v4  }
0xbf: {  	vm14 =	vmand vm9, vm6;
	[tilespmem:v5+s7+$0x0] =	vst.idx.add.f32.msk vm15, v4  }
0xc0: {  	vm15 =	vmand vm9, vm4;
	[tilespmem:v5+s7+$0x0] =	vst.idx.add.f32.msk vm10, v4  }
0xc1: {  	vm10 =	vmand vm9, vm7;
	[tilespmem:v5+s7+$0x0] =	vst.idx.add.f32.msk vm11, v4;
	vm11 =	vcmask $0x3734  }
0xc2: {  	vm11 =	vmand vm9, vm11;
	[tilespmem:v5+s7+$0x0] =	vst.idx.add.f32.msk vm12, v4  }
0xc3: {  	vm12 =	vmand vm9, vm8;
	[tilespmem:v5+s7+$0x0] =	vst.idx.add.f32.msk vm13, v4;
	vm13 =	vcmask $0x3F3C  }
0xc4: {  	vm9 =	vmand vm9, vm13  }
0xc5: {  	[tilespmem:v5+s7+$0x0] =	vst.idx.add.f32.msk vm14, v4  }
0xc6: {  	[tilespmem:v5+s7+$0x0] =	vst.idx.add.f32.msk vm15, v4  }
0xc7: {  	[tilespmem:v5+s7+$0x0] =	vst.idx.add.f32.msk vm10, v4  }
0xc8: {  	[tilespmem:v5+s7+$0x0] =	vst.idx.add.f32.msk vm11, v4  }
0xc9: {  	[tilespmem:v5+s7+$0x0] =	vst.idx.add.f32.msk vm12, v4  }
0xca: {  	[tilespmem:v5+s7+$0x0] =	vst.idx.add.f32.msk vm9, v4  }
0xcb: {  	v5 =	vld [tilespmem:s10+$0x20];
	_ =	sdelay $0x4  }
0xcc: {  	v6 =	vadd.s32 s11, v5  }
0xcd: {  	(v2sf) =	vpush v6, $0xD;
	_ =	sdelay $0x1  }
0xce: {  	(v2sf) =	vpush v6, $0xC;
	_ =	sdelay $0x1  }
0xcf: {  	(v2sf) =	vpush v6, $0xE;
	_ =	sdelay $0x1  }
0xd0: {  	(v2sf) =	vpush v6, $0xF;
	_ =	sdelay $0x1  }
0xd1: {  	(v2sf) =	vpush v6, $0x9;
	_ =	sdelay $0x1  }
0xd2: {  	(v2sf) =	vpush v6, $0x8;
	_ =	sdelay $0x1  }
0xd3: {  	(v2sf) =	vpush v6, $0xA;
	_ =	sdelay $0x1  }
0xd4: {  	(v2sf) =	vpush v6, $0xB  }
0xd5: {  	s8 =	spop (v2sf)  }
0xd6: {  	(v2sf) =	vpush v6, $0x0;
	s1 =	smulhi.u32 $0x51EB851F, s8;
	s0 =	sshra.s32 s8, $0x1F  }
0xd7: {  	(v2sf) =	vpush v6, $0x1;
	s11 =	spop (v2sf);
	s0 =	smul.u32 $0x51EB851F, s0  }
0xd8: {  	s3 =	smulhi.u32 $0x51EB851F, s11;
	s2 =	sshra.s32 s11, $0x1F  }
0xd9: {  	s12 =	spop (v2sf);
	s2 =	smul.u32 $0x51EB851F, s2  }
0xda: {  	(v2sf) =	vpush v6, $0x2;
	s6 =	smulhi.u32 $0x51EB851F, s12;
	s4 =	sshra.s32 s12, $0x1F  }
0xdb: {  	(v2sf) =	vpush v6, $0x3;
	s13 =	spop (v2sf);
	s4 =	smul.u32 $0x51EB851F, s4  }
0xdc: {  	(v2sf) =	vpush v6, $0x4;
	s15 =	smulhi.u32 $0x51EB851F, s13;
	s5 =	sshra.s32 s13, $0x1F  }
0xdd: {  	(v2sf) =	vpush v6, $0x5;
	s14 =	spop (v2sf);
	s5 =	smul.u32 $0x51EB851F, s5  }
0xde: {  	(v2sf) =	vpush v6, $0x6;
	s16 =	smulhi.u32 $0x51EB851F, s14;
	s8 =	sshra.s32 s14, $0x1F  }
0xdf: {  	(v2sf) =	vpush v6, $0x7;
	s17 =	spop (v2sf);
	s8 =	smul.u32 $0x51EB851F, s8  }
0xe0: {  	s19 =	smulhi.u32 $0x51EB851F, s17;
	s11 =	sshra.s32 s17, $0x1F  }
0xe1: {  	s18 =	spop (v2sf);
	s22 =	smul.u32 $0x51EB851F, s11  }
0xe2: {  	s24 =	smulhi.u32 $0x51EB851F, s18;
	s12 =	sshra.s32 s18, $0x1F  }
0xe3: {  	s13 =	sadd.s32 s4, s6;
	s20 =	spop (v2sf);
	s26 =	smul.u32 $0x51EB851F, s12  }
0xe4: {  	s11 =	sadd.s32 s5, s15;
	s29 =	smulhi.u32 $0x51EB851F, s20;
	s14 =	sshra.s32 s20, $0x1F  }
0xe5: {  	s30 =	spop (v2sf);
	s12 =	sadd.s32 s0, s1;
	s0 =	smul.u32 $0x51EB851F, s14  }
0xe6: {  	s31 =	spop (v2sf);
	s1 =	smulhi.u32 $0x51EB851F, s30;
	s17 =	sshra.s32 s30, $0x1F  }
0xe7: {  	s14 =	sadd.s32 s2, s3;
	s3 =	sshrl.u32 s12, $0x1F;
	s2 =	smul.u32 $0x51EB851F, s17  }
0xe8: {  	s19 =	sadd.s32 s22, s19;
	s4 =	smulhi.u32 $0x51EB851F, s31;
	s18 =	sshra.s32 s31, $0x1F  }
0xe9: {  	s21 =	spop (v2sf);
	s30 =	sshrl.u32 s14, $0x1F;
	s5 =	smul.u32 $0x51EB851F, s18  }
0xea: {  	s23 =	spop (v2sf);
	s6 =	smulhi.u32 $0x51EB851F, s21;
	s17 =	sshra.s32 s21, $0x1F  }
0xeb: {  	s18 =	sadd.s32 s8, s16;
	s25 =	spop (v2sf);
	s8 =	smul.u32 $0x51EB851F, s17  }
0xec: {  	s15 =	sadd.s32 s0, s29;
	s22 =	smulhi.u32 $0x51EB851F, s23;
	s28 =	spop (v2sf)  }
0xed: {  	s29 =	smulhi.u32 $0x51EB851F, s25;
	s25 =	sshra.s32 s25, $0x1F;
	s20 =	spop (v2sf)  }
0xee: {  	s16 =	sadd.s32 s26, s24;
	s25 =	smul.u32 $0x51EB851F, s25;
	s24 =	spop (v2sf)  }
0xef: {  	s1 =	sadd.s32 s2, s1;
	s2 =	smulhi.u32 $0x51EB851F, s24;
	s17 =	sshra.s32 s24, $0x1F  }
0xf0: {  	s31 =	sshrl.u32 s13, $0x1F;
	s23 =	sshra.s32 s23, $0x1F;
	s26 =	smul.u32 $0x51EB851F, s17  }
0xf1: {  	s21 =	sshrl.u32 s11, $0x1F;
	v55 =	vmov s30;
	s0 =	smul.u32 $0x51EB851F, s23;
	s4 =	sadd.s32 s5, s4  }
0xf2: {  	v8 =	vsel vm1, s3, v55;
	s6 =	sadd.s32 s8, s6;
	s8 =	sadd.s32 s25, s29;
	s17 =	sadd.s32 s26, s2  }
0xf3: {  	vm9 =	vcmask $0x300;
	v8 =	vsel vm2, s31, v8;
	s29 =	sshrl.u32 s1, $0x1F;
	s24 =	sshrl.u32 s19, $0x1F;
	s5 =	sshra.s32 s17, $0x1F  }
0xf4: {  	s23 =	sshrl.u32 s18, $0x1F;
	s30 =	sshrl.u32 s4, $0x1F;
	v56 =	vmov s29;
	v57 =	vmov s24;
	s26 =	sshra.s32 s1, $0x6;
	v7 =	vmov s5  }
0xf5: {  	s3 =	smulhi.u32 $0x51EB851F, s28;
	v10 =	vsel vm1, s23, v57;
	s2 =	sshrl.u32 s16, $0x1F;
	s1 =	sshra.s32 s1, $0x1F;
	v7 =	vsel vm9, s26, v7;
	vm9 =	vcmask $0x704  }
0xf6: {  	s0 =	sadd.s32 s0, s22;
	v10 =	vsel vm2, s2, v10;
	s26 =	sshra.s32 s28, $0x1F;
	s28 =	sshra.s32 s4, $0x6;
	v7 =	vsel vm9, s1, v7;
	vm9 =	vcmask $0x300  }
0xf7: {  	s22 =	sshrl.u32 s15, $0x1F;
	s31 =	sshra.s32 s6, $0x6;
	s4 =	sshra.s32 s4, $0x1F;
	v9 =	vnsel vm9, $0x0, v56;
	v7 =	vsel vm1, s28, v7;
	vm9 =	vcmask $0xF0C  }
0xf8: {  	v8 =	vsel vm0, s21, v8;
	s21 =	sshrl.u32 s0, $0x1F;
	s29 =	sshrl.u32 s6, $0x1F;
	s6 =	sshra.s32 s6, $0x1F;
	v10 =	vsel vm0, s22, v10;
	v7 =	vsel vm9, s4, v7  }
0xf9: {  	s5 =	sshra.s32 s14, $0x6;
	s25 =	smul.u32 $0x51EB851F, s26;
	s26 =	sshrl.u32 s8, $0x1F;
	v9 =	vsel vm1, s30, v9;
	vm9 =	vcmask $0x1714;
	v7 =	vsel vm2, s31, v7  }
0xfa: {  	v8 =	vcombine.low v10, v8;
	s28 =	sshra.s32 s0, $0x6;
	s0 =	sshra.s32 s0, $0x1F;
	s30 =	smulhi.u32 $0x51EB851F, s20;
	v9 =	vsel vm2, s29, v9;
	v7 =	vsel vm9, s6, v7  }
0xfb: {  	s20 =	sshra.s32 s20, $0x1F;
	s25 =	sadd.s32 s25, s3;
	s4 =	sshra.s32 s8, $0x6;
	v9 =	vsel vm0, s21, v9;
	vm9 =	vcmask $0x1F1C;
	v7 =	vsel vm0, s28, v7  }
0xfc: {  	v58 =	vmov s5;
	s24 =	smul.u32 $0x51EB851F, s20;
	s6 =	sshra.s32 s19, $0x6;
	s19 =	sshra.s32 s12, $0x6;
	v9 =	vsel vm5, s26, v9;
	v7 =	vsel vm9, s0, v7  }
0xfd: {  	s14 =	sshra.s32 s8, $0x1F;
	s29 =	sshrl.u32 s25, $0x1F;
	s20 =	sshra.s32 s18, $0x6;
	v59 =	vmov s6;
	v10 =	vsel vm1, s19, v58;
	v7 =	vsel vm5, s4, v7  }
0xfe: {  	s22 =	sshra.s32 s13, $0x6;
	s21 =	sshra.s32 s25, $0x6;
	s30 =	sadd.s32 s24, s30;
	v9 =	vsel vm6, s29, v9;
	v11 =	vsel vm1, s20, v59;
	v7 =	vsel vm3, s14, v7  }
0xff: {  	v61 =	vld [tilespmem:$0x1FFF0];
	s23 =	sshra.s32 s16, $0x6;
	s24 =	sshra.s32 s25, $0x1F;
	s31 =	sshrl.u32 s30, $0x1F;
	v10 =	vsel vm2, s22, v10;
	vm9 =	vcmask $0x3734;
	v7 =	vsel vm6, s21, v7  }
0x100: {  	v62 =	vld [tilespmem:$0x1FFF0];
	s25 =	sshra.s32 s11, $0x6;
	s26 =	sshra.s32 s15, $0x6;
	s28 =	sshra.s32 s30, $0x6;
	v9 =	vsel vm7, s31, v9;
	v11 =	vsel vm2, s23, v11;
	v7 =	vsel vm4, s24, v7  }
0x101: {  	s29 =	sshrl.u32 s17, $0x1F;
	s30 =	sshra.s32 s30, $0x1F;
	v10 =	vsel vm0, s25, v10;
	v11 =	vsel vm0, s26, v11;
	v7 =	vsel vm7, s28, v7  }
0x102: {  	s31 =	sshra.s32 s17, $0x6;
	v9 =	vsel vm8, s29, v9;
	v10 =	vcombine.low v11, v10;
	v7 =	vsel vm9, s30, v7  }
0x103: {  	v8 =	vperm.xlane v8, v2;
	v9 =	vperm.xlane v9, v3;
	v7 =	vsel vm8, s31, v7  }
0x104: {  	v10 =	vperm.xlane v10, v2;
	vm9 =	vnez.u8 v61;
	v7 =	vperm.xlane v7, v3  }
0x105: {  	v60 =	vld [tilespmem:s10+$0xFFFFFFF0];
	v8 =	vsel vm9, v9, v8;
	vm9 =	vnez.u8 v62  }
0x106: {  	v7 =	vsel vm9, v7, v10  }
0x107: {  	v7 =	vadd.s32 v8, v7  }
0x108: {  	v7 =	vmul.u32 $0xC8, v7;
	_ =	sdelay $0x1  }
0x109: {  	v5 =	vsub.s32 v60, v5;
	v63 =	vsub.s32 v6, v0;
	v6 =	vsub.s32 v6, v7  }
0x10a: {  	v5 =	vadd.s32 v6, v5;
	v6 =	vld [tilespmem:$0x1FFE0];
	_ =	sdelay $0x3  }
0x10b: {  	v7 =	vshll.u32 v63, $0x8  }
0x10c: {  	vm9 =	vlt.u32 v63, $0x96;
	v5 =	vadd.s32 v7, v5;
	vm10 =	vnez.u8 v6  }
0x10d: {  	vm11 =	vcmask $0x704;
	v5 =	vadd.s32 $0x18, v5;
	vm10 =	vmand vm9, vm10  }
0x10e: {  	vm11 =	vmand vm9, vm11;
	v5 =	vnsel vm9, $0x0, v5;
	_ =	sdelay $0x1  }
0x10f: {  	vm13 =	vcmask $0xF0C;
	vm12 =	vmand vm9, vm1  }
0x110: {  	vm13 =	vmand vm9, vm13  }
0x111: {  	vm15 =	vcmask $0x1714;
	vm14 =	vmand vm9, vm2  }
0x112: {  	vm15 =	vmand vm9, vm15;
	[tilespmem:v5+s7+$0x0] =	vst.idx.add.f32.msk vm10, v4  }
0x113: {  	vm10 =	vmand vm9, vm0;
	[tilespmem:v5+s7+$0x0] =	vst.idx.add.f32.msk vm11, v4;
	vm11 =	vcmask $0x1F1C  }
0x114: {  	vm11 =	vmand vm9, vm11  }
0x115: {  	[tilespmem:v5+s7+$0x0] =	vst.idx.add.f32.msk vm12, v4  }
0x116: {  	vm12 =	vmand vm9, vm5;
	[tilespmem:v5+s7+$0x0] =	vst.idx.add.f32.msk vm13, v4  }
0x117: {  	vm13 =	vmand vm9, vm3;
	[tilespmem:v5+s7+$0x0] =	vst.idx.add.f32.msk vm14, v4  }
0x118: {  	vm14 =	vmand vm9, vm6;
	[tilespmem:v5+s7+$0x0] =	vst.idx.add.f32.msk vm15, v4  }
0x119: {  	vm15 =	vmand vm9, vm4;
	[tilespmem:v5+s7+$0x0] =	vst.idx.add.f32.msk vm10, v4  }
0x11a: {  	vm10 =	vmand vm9, vm7;
	[tilespmem:v5+s7+$0x0] =	vst.idx.add.f32.msk vm11, v4;
	vm11 =	vcmask $0x3734  }
0x11b: {  	vm11 =	vmand vm9, vm11  }
0x11c: {  	vm3 =	vcmask $0x3F3C;
	[tilespmem:v5+s7+$0x0] =	vst.idx.add.f32.msk vm12, v4;
	vm12 =	vmand vm9, vm8  }
0x11d: {  	vm9 =	vmand vm9, vm3;
	[tilespmem:v5+s7+$0x0] =	vst.idx.add.f32.msk vm13, v4  }
0x11e: {  	[tilespmem:v5+s7+$0x0] =	vst.idx.add.f32.msk vm14, v4  }
0x11f: {  	[tilespmem:v5+s7+$0x0] =	vst.idx.add.f32.msk vm15, v4  }
0x120: {  	[tilespmem:v5+s7+$0x0] =	vst.idx.add.f32.msk vm10, v4  }
0x121: {  	[tilespmem:v5+s7+$0x0] =	vst.idx.add.f32.msk vm11, v4  }
0x122: {  	[tilespmem:v5+s7+$0x0] =	vst.idx.add.f32.msk vm12, v4  }
0x123: {  	[tilespmem:v5+s7+$0x0] =	vst.idx.add.f32.msk vm9, v4  }
0x124: {  	p0 =	sne.s32 s9, $0x95;
	v5 =	vld [tilespmem:$0x1FFF0]  }
.Ltmp1:
0x125: {  	_ = 	snop;
	(pc) =	sbr.rel @p0 .LBB2_4-.Ltmp1, $4  }
0x126: {  	_ = 	snop  }
0x127: {  	vm3 =	vcmask $0x300;
	vm14 =	vmmov vm4;
	vm4 =	vcmask $0x704  }
0x128: {  	vm15 =	vcmask $0x3734;
	vm10 =	vmmov vm0;
	vm0 =	vcmask $0xF0C  }
0x129: {  	s9 =	sadd.s32 $0x1, s9;
	s10 =	sadd.s32 $0x60, s10;
	vm11 =	vcmask $0x1714;
	vm12 =	vcmask $0x1F1C;
	vm9 =	vnez.u8 v5  }
0x12a: {  	s1 =	simm.s32 $0x0;
	s0 =	rddreg [dreg:$0x4];
	s2 =	simm.s32 $0x1  }
0x12b: {  	[hbm4b:s0+s1] =	stream.linear.scatter [tilespmem:s7], [sflag:$0x1], $0x9600, $0x38;
	[tilespmem:$0xD780] =	vst v63  }
0x12c: {  	_ =	swait.ge [sflag:s2], $0x9600  }
0x12d: {  	s3 =	rddreg [dreg:$0x6]  }
0x12e: {  	s31 =	rddreg [dreg:$0x5];
	s3 =	sadd.s32 $0x1, s3  }
0x12f: {  	p0 =	sne.s32 s3, s31  }
.Ltmp2:
0x130: {  	_ = 	snop;
	(pc) =	sbr.rel @p0 .LBB2_1-.Ltmp2, $3  }
0x131: {  	_ =	sdelay $0x1  }
0x132: {  	[sflag:s2] =	ssyncset.done $0x0  }
0x133: {  	[sflag:s2] =	ssyncadd.s32 $0xFFFF6A00  }
0x134: {  	_ =	sfence.sel $0x180000  }
0x135: {  	[bflag:$0x0] =	sbarrier.arrive $0xFFFF  }
0x136: {  	_ =	strace $0x90000047  }
0x137: {  	s0 =	stileid.u32;
	[bflag:$0x2] =	sbarrier.arrive $0xFFFF  }
0x138: {  	p0 =	sne.s32 s0, $0x0;
	s0 =	rddreg [dreg:$0x1]  }
0x139: {  	s0 =	sadd.s32 @!p0 $0x100000, s0  }
0x13a: {  	[sflag:s0] =	ssyncadd.tile.s32 @!p0 $0x1;
	_ =	shalt  }
.Lfunc_end2:
_tile_overlayer_lowered:
.L_overlay_start_2:
0x13b: {  	(tag) =	ssettag $0x2  }
0x13c: {  	s0 =	rddreg [dreg:$0x0];
	s2 =	stileid.u32  }
0x13d: {  	s1 =	rddreg [dreg:$0x1];
	p0 =	sne.s32 s2, $0x0  }
0x13e: {  	s3 =	rddreg [dreg:$0x2];
	[bflag:$0x3] =	sbarrier.arrive $0xFFFF;
	s2 =	simm.s32 @!p0 $0x1C01  }
0x13f: {  	[timem:s3], [sflag:s2] =	dma.local @!p0 [hbm:s0], s1  }
0x140: {  	s0 =	simm.s32 @!p0 $0x1  }
0x141: {  	_ =	swait.ge @!p0 [sflag:s0], s1  }
0x142: {  	s1 =	ssub.s32 @!p0 $0x0, s1;
	[sflag:s0] =	ssyncset.done @!p0 $0x0  }
0x143: {  	[sflag:s0] =	ssyncadd.s32 @!p0 s1  }
0x144: {  	[bflag:$0x3] =	sbarrier.arrive $0xFFFF  }
0x145: {  	_ =	shalt  }

</sc_bundles>
